<compile_context>
chip_gen: v7x
topology: tpu7x:2x2x1
jax: 0.10.2.dev20260603
libtpu: 0.0.44.dev20260713+nightly
codegen_flags: <defaults>
</compile_context>

<pallas_src>
import functools

import jax
import jax.numpy as jnp
from jax import lax
from jax.experimental import pallas as pl
from jax.experimental.pallas import tpu as pltpu
from jax.experimental.pallas import tpu_sc as plsc

_E = 16
_BLK = 1024
_L = 16


def _matmul_body(x_ref, w_ref, b_ref, y_ref):
    acc = jax.lax.dot_general(w_ref[...], x_ref[...], (((1,), (1,)), ((), ())),
                              preferred_element_type=jnp.float32)
    acc = acc + b_ref[...]
    tpw = y_ref.shape[2]
    for w in range(y_ref.shape[0]):
        y_ref[w] = acc[:, w * tpw:(w + 1) * tpw]


def _route_body(y_hbm, o_hbm, yv, ov):
    info = plsc.get_sparse_core_info()
    nc = info.num_cores
    wid = lax.axis_index("s") * nc + lax.axis_index("c")
    tpw = ov.shape[0]
    base = wid * tpw
    pltpu.sync_copy(y_hbm.at[wid], yv)

    def group(g, _):
        col0 = g * _L
        v1 = yv[0, pl.ds(col0, _L)]
        i1 = jnp.zeros((_L,), jnp.int32)
        v2 = jnp.full((_L,), -jnp.inf, jnp.float32)
        i2 = jnp.zeros((_L,), jnp.int32)
        for e in range(1, _E):
            v = yv[e, pl.ds(col0, _L)]
            ev = jnp.full((_L,), e, jnp.int32)
            gt1 = v > v1
            gt2 = v > v2
            v2 = jnp.where(gt1, v1, jnp.where(gt2, v, v2))
            i2 = jnp.where(gt1, i1, jnp.where(gt2, ev, i2))
            v1 = jnp.where(gt1, v, v1)
            i1 = jnp.where(gt1, ev, i1)
        sig1 = jnp.zeros((_L,), jnp.float32)
        sig2 = jnp.zeros((_L,), jnp.float32)
        for e in range(_E):
            eo = yv[_E + e, pl.ds(col0, _L)]
            sig = 1.0 / (1.0 + jnp.exp(-eo))
            sig1 = jnp.where(i1 == e, sig, sig1)
            sig2 = jnp.where(i2 == e, sig, sig2)
        t = jnp.exp(v2 - v1)
        ov[pl.ds(col0, _L)] = (sig1 + t * sig2) / (1.0 + t)
        return 0

    lax.fori_loop(0, tpw // _L, group, 0)
    pltpu.sync_copy(ov, o_hbm.at[pl.ds(base, tpw)])


def kernel(x, W_route, b_route, W_noise, b_noise, W_experts, b_experts):
    n, d = x.shape
    wt = jnp.concatenate([W_noise.T, W_experts], axis=0)
    bt = jnp.concatenate([b_noise, b_experts])[:, None]
    info = plsc.get_sparse_core_info()
    nw = info.num_cores * info.num_subcores
    tpw = n // nw
    wpb = _BLK // tpw
    y = pl.pallas_call(
        _matmul_body,
        grid=(n // _BLK,),
        in_specs=[
            pl.BlockSpec((_BLK, d), lambda i: (i, 0)),
            pl.BlockSpec((2 * _E, d), lambda i: (0, 0)),
            pl.BlockSpec((2 * _E, 1), lambda i: (0, 0)),
        ],
        out_specs=pl.BlockSpec((wpb, 2 * _E, tpw), lambda i: (i, 0, 0)),
        out_shape=jax.ShapeDtypeStruct((nw, 2 * _E, tpw), jnp.float32),
    )(x, wt, bt)
    route = functools.partial(
        pl.kernel,
        out_type=jax.ShapeDtypeStruct((n,), jnp.float32),
        mesh=plsc.VectorSubcoreMesh(core_axis_name="c", subcore_axis_name="s"),
        scratch_types=[
            pltpu.VMEM((2 * _E, tpw), jnp.float32),
            pltpu.VMEM((tpw,), jnp.float32),
        ],
    )(_route_body)
    out = route(y)
    return out.reshape(n, 1)

# --- scband reference (transcript-rebuilt; emitter-appended) ---
"""Pipeline reference for scband-mo-elogistic-regression-11029476016647 (READ-ONLY COPY).

The authoritative reference and input builder live on the scoring server;
editing this copy changes nothing except your own understanding.
"""

import jax, jax.numpy as jnp
import numpy as np

N_EXPERTS = 16
TOP_K = 2
IN_FEATURES = 2048
N_TOKENS = 8192


def setup_inputs(seed: int = 0) -> dict:
    key = jax.random.key(seed)
    ks = jax.random.split(key, 6)
    x = jax.random.normal(ks[0], (N_TOKENS, IN_FEATURES), dtype=jnp.float32)
    # Router params (nn.Linear(dim_model, n_experts))
    W_route = jax.random.normal(ks[1], (IN_FEATURES, N_EXPERTS), dtype=jnp.float32) * 0.02
    b_route = jnp.zeros((N_EXPERTS,), dtype=jnp.float32)
    # Noise linear params
    W_noise = jax.random.normal(ks[2], (IN_FEATURES, N_EXPERTS), dtype=jnp.float32) * 0.02
    b_noise = jnp.zeros((N_EXPERTS,), dtype=jnp.float32)
    # Expert params: n_experts independent Linear(in_features, 1); stacked as [E, D] and [E]
    W_experts = jax.random.normal(ks[3], (N_EXPERTS, IN_FEATURES), dtype=jnp.float32) * 0.02
    b_experts = jnp.zeros((N_EXPERTS,), dtype=jnp.float32)
    return {
        "x": x,
        "W_route": W_route,
        "b_route": b_route,
        "W_noise": W_noise,
        "b_noise": b_noise,
        "W_experts": W_experts,
        "b_experts": b_experts,
    }


def reference(x, W_route, b_route, W_noise, b_noise, W_experts, b_experts):
    # ---- NoisyTopKRouter ----
    logits = x @ W_route + b_route                      # [N, E]
    noise_logits = x @ W_noise + b_noise                # [N, E]
    noise = jax.random.normal(jax.random.key(42), logits.shape, dtype=logits.dtype) \
            * jax.nn.softplus(noise_logits)
    noisy_logits = logits + noise                       # computed as in torch (unused downstream except shape)
    # NOTE: faithful to the torch code, topk is taken on noise_logits
    top_k_logits, indices = jax.lax.top_k(noise_logits, TOP_K)   # [N, K]
    sparse_logits = jnp.full_like(noisy_logits, -jnp.inf)
    rows = jnp.arange(x.shape[0])[:, None]
    sparse_logits = sparse_logits.at[rows, indices].set(top_k_logits)
    routing_weights = jax.nn.softmax(sparse_logits, axis=-1)     # [N, E]

    # ---- SparseMoE: every expert runs on all tokens, weighted by gating score ----
    # ExpertLogisticRegression: sigmoid(Linear(D,1)); vectorized across experts
    expert_outs = jax.nn.sigmoid(x @ W_experts.T + b_experts)    # [N, E]
    final_out = jnp.sum(expert_outs * routing_weights, axis=-1, keepdims=True)  # [N, 1]
    return final_out

if __name__ == "__main__":
    import jax
    _d = setup_inputs()
    print(jax.jit(kernel)(*tuple(_d.values())))

</pallas_src>

<mosaic_0001>
#map = affine_map<(d0, d1) -> (0, 0, 0)>
#map1 = affine_map<(d0, d1) -> (0)>
module attributes {stable_mosaic.version = 14 : i64} {
  func.func @_route_body(%arg0: i32, %arg1: i32, %arg2: memref<32x32x256xf32, #tpu.memory_space<hbm>>, %arg3: memref<8192xf32, #tpu.memory_space<hbm>>, %arg4: memref<32x256xf32, #tpu.memory_space<vmem>>, %arg5: memref<256xf32, #tpu.memory_space<vmem>>) attributes {dimension_semantics = [#tpu.dimension_semantics<core_parallel>, #tpu.dimension_semantics<subcore_parallel>], iteration_bounds = array<i64: 2, 16>, scalar_prefetch = 0 : i64, scratch_operands = 2 : i64, tpu.core_type = #tpu.core_type<sc_vector_subcore>, window_params = [{transform_indices = #map}, {transform_indices = #map1}]} {
    %mul3A = arith.constant 2 : i32
    %mul3A_0 = arith.muli %arg1, %mul3A : i32
    %add3A = arith.addi %mul3A_0, %arg0 : i32
    %mul3A_1 = arith.constant 256 : i32
    %mul3A_2 = arith.muli %add3A, %mul3A_1 : i32
    "tpu.region"() ({
      %run_scoped3A = tpu.sem_alloc : memref<!tpu.dma_semaphore, #tpu.memory_space<semaphore_mem>>
      %dma_start3A = arith.constant 0 : i32
      %dma_start3A_9 = arith.constant 0 : i32
      %dma_start3A_10 = tpu.memref_slice %arg2[%add3A, %dma_start3A, %dma_start3A_9] : memref<32x32x256xf32, #tpu.memory_space<hbm>> -> memref<1x32x256xf32, #tpu.memory_space<hbm>>
      %dma_start3A_11 = tpu.memref_squeeze %dma_start3A_10 : memref<1x32x256xf32, #tpu.memory_space<hbm>> -> memref<32x256xf32, #tpu.memory_space<hbm>>
      %dma_start3A_12 = arith.constant 0 : i32
      %dma_start3A_13 = arith.constant 0 : i32
      %dma_start3A_14 = tpu.memref_slice %arg2[%add3A, %dma_start3A_12, %dma_start3A_13] : memref<32x32x256xf32, #tpu.memory_space<hbm>> -> memref<1x32x256xf32, #tpu.memory_space<hbm>>
      %dma_start3A_15 = tpu.memref_squeeze %dma_start3A_14 : memref<1x32x256xf32, #tpu.memory_space<hbm>> -> memref<32x256xf32, #tpu.memory_space<hbm>>
      tpu.enqueue_dma source(%dma_start3A_15 : memref<32x256xf32, #tpu.memory_space<hbm>>) target(%arg4 : memref<32x256xf32, #tpu.memory_space<vmem>>) target_semaphore(%run_scoped3A : memref<!tpu.dma_semaphore, #tpu.memory_space<semaphore_mem>>)
      %dma_wait3A = arith.constant 0 : i32
      %dma_wait3A_16 = arith.constant 0 : i32
      %dma_wait3A_17 = tpu.memref_slice %arg2[%add3A, %dma_wait3A, %dma_wait3A_16] : memref<32x32x256xf32, #tpu.memory_space<hbm>> -> memref<1x32x256xf32, #tpu.memory_space<hbm>>
      %dma_wait3A_18 = tpu.memref_squeeze %dma_wait3A_17 : memref<1x32x256xf32, #tpu.memory_space<hbm>> -> memref<32x256xf32, #tpu.memory_space<hbm>>
      %dma_wait3A_19 = arith.constant 0 : i32
      %dma_wait3A_20 = arith.constant 0 : i32
      %dma_wait3A_21 = tpu.memref_slice %arg2[%add3A, %dma_wait3A_19, %dma_wait3A_20] : memref<32x32x256xf32, #tpu.memory_space<hbm>> -> memref<1x32x256xf32, #tpu.memory_space<hbm>>
      %dma_wait3A_22 = tpu.memref_squeeze %dma_wait3A_21 : memref<1x32x256xf32, #tpu.memory_space<hbm>> -> memref<32x256xf32, #tpu.memory_space<hbm>>
      tpu.wait_dma2 semaphore(%run_scoped3A : memref<!tpu.dma_semaphore, #tpu.memory_space<semaphore_mem>>) src(%dma_wait3A_22 : memref<32x256xf32, #tpu.memory_space<hbm>>) dst(%arg4 : memref<32x256xf32, #tpu.memory_space<vmem>>)
      tpu.yield
    }) : () -> ()
    %scan3A = arith.constant 0 : i32
    %scan3A_3 = arith.constant 0 : i32
    %scan3A_4 = arith.constant 16 : i32
    %scan3A_5 = arith.addi %scan3A_3, %scan3A_4 : i32
    %scan3A_6 = arith.constant 1 : i32
    %scan3A_7 = scf.for %scan3A_9 = %scan3A_3 to %scan3A_5 step %scan3A_6 iter_args(%scan3A_10 = %scan3A) -> (i32)  : i32 {
      %mul3A_11 = arith.constant 16 : i32
      %mul3A_12 = arith.muli %scan3A_9, %mul3A_11 : i32
      %get3A = arith.constant 0 : i32
      %get3A_13 = arith.index_cast %get3A : i32 to index
      %get3A_14 = arith.index_cast %mul3A_12 : i32 to index
      %get3A_15 = tpu.vector_load %arg4[%get3A_13, %get3A_14] {strides = array<i32>} : memref<32x256xf32, #tpu.memory_space<vmem>>, vector<1x16xf32>,
      %get3A_16 = vector.shape_cast %get3A_15 : vector<1x16xf32> to vector<16xf32>
      %broadcast_in_dim3A = arith.constant 0 : i32
      %broadcast_in_dim3A_17 = vector.broadcast %broadcast_in_dim3A : i32 to vector<16xi32>
      %broadcast_in_dim3A_18 = arith.constant 0xFF800000 : f32
      %broadcast_in_dim3A_19 = vector.broadcast %broadcast_in_dim3A_18 : f32 to vector<16xf32>
      %broadcast_in_dim3A_20 = arith.constant 0 : i32
      %broadcast_in_dim3A_21 = vector.broadcast %broadcast_in_dim3A_20 : i32 to vector<16xi32>
      %get3A_22 = arith.constant 1 : i32
      %get3A_23 = arith.index_cast %get3A_22 : i32 to index
      %get3A_24 = arith.index_cast %mul3A_12 : i32 to index
      %get3A_25 = tpu.vector_load %arg4[%get3A_23, %get3A_24] {strides = array<i32>} : memref<32x256xf32, #tpu.memory_space<vmem>>, vector<1x16xf32>,
      %get3A_26 = vector.shape_cast %get3A_25 : vector<1x16xf32> to vector<16xf32>
      %broadcast_in_dim3A_27 = arith.constant 1 : i32
      %broadcast_in_dim3A_28 = vector.broadcast %broadcast_in_dim3A_27 : i32 to vector<16xi32>
      %gt3A = arith.cmpf ogt, %get3A_26, %get3A_16 : vector<16xf32>
      %gt3A_29 = arith.cmpf ogt, %get3A_26, %broadcast_in_dim3A_19 : vector<16xf32>
      %select_n3A = arith.select %gt3A_29, %get3A_26, %broadcast_in_dim3A_19 : vector<16xi1>, vector<16xf32>
      %select_n3A_30 = arith.select %gt3A, %get3A_16, %select_n3A : vector<16xi1>, vector<16xf32>
      %select_n3A_31 = arith.select %gt3A_29, %broadcast_in_dim3A_28, %broadcast_in_dim3A_21 : vector<16xi1>, vector<16xi32>
      %select_n3A_32 = arith.select %gt3A, %broadcast_in_dim3A_17, %select_n3A_31 : vector<16xi1>, vector<16xi32>
      %select_n3A_33 = arith.select %gt3A, %get3A_26, %get3A_16 : vector<16xi1>, vector<16xf32>
      %select_n3A_34 = arith.select %gt3A, %broadcast_in_dim3A_28, %broadcast_in_dim3A_17 : vector<16xi1>, vector<16xi32>
      %get3A_35 = arith.constant 2 : i32
      %get3A_36 = arith.index_cast %get3A_35 : i32 to index
      %get3A_37 = arith.index_cast %mul3A_12 : i32 to index
      %get3A_38 = tpu.vector_load %arg4[%get3A_36, %get3A_37] {strides = array<i32>} : memref<32x256xf32, #tpu.memory_space<vmem>>, vector<1x16xf32>,
      %get3A_39 = vector.shape_cast %get3A_38 : vector<1x16xf32> to vector<16xf32>
      %broadcast_in_dim3A_40 = arith.constant 2 : i32
      %broadcast_in_dim3A_41 = vector.broadcast %broadcast_in_dim3A_40 : i32 to vector<16xi32>
      %gt3A_42 = arith.cmpf ogt, %get3A_39, %select_n3A_33 : vector<16xf32>
      %gt3A_43 = arith.cmpf ogt, %get3A_39, %select_n3A_30 : vector<16xf32>
      %select_n3A_44 = arith.select %gt3A_43, %get3A_39, %select_n3A_30 : vector<16xi1>, vector<16xf32>
      %select_n3A_45 = arith.select %gt3A_42, %select_n3A_33, %select_n3A_44 : vector<16xi1>, vector<16xf32>
      %select_n3A_46 = arith.select %gt3A_43, %broadcast_in_dim3A_41, %select_n3A_32 : vector<16xi1>, vector<16xi32>
      %select_n3A_47 = arith.select %gt3A_42, %select_n3A_34, %select_n3A_46 : vector<16xi1>, vector<16xi32>
      %select_n3A_48 = arith.select %gt3A_42, %get3A_39, %select_n3A_33 : vector<16xi1>, vector<16xf32>
      %select_n3A_49 = arith.select %gt3A_42, %broadcast_in_dim3A_41, %select_n3A_34 : vector<16xi1>, vector<16xi32>
      %get3A_50 = arith.constant 3 : i32
      %get3A_51 = arith.index_cast %get3A_50 : i32 to index
      %get3A_52 = arith.index_cast %mul3A_12 : i32 to index
      %get3A_53 = tpu.vector_load %arg4[%get3A_51, %get3A_52] {strides = array<i32>} : memref<32x256xf32, #tpu.memory_space<vmem>>, vector<1x16xf32>,
      %get3A_54 = vector.shape_cast %get3A_53 : vector<1x16xf32> to vector<16xf32>
      %broadcast_in_dim3A_55 = arith.constant 3 : i32
      %broadcast_in_dim3A_56 = vector.broadcast %broadcast_in_dim3A_55 : i32 to vector<16xi32>
      %gt3A_57 = arith.cmpf ogt, %get3A_54, %select_n3A_48 : vector<16xf32>
      %gt3A_58 = arith.cmpf ogt, %get3A_54, %select_n3A_45 : vector<16xf32>
      %select_n3A_59 = arith.select %gt3A_58, %get3A_54, %select_n3A_45 : vector<16xi1>, vector<16xf32>
      %select_n3A_60 = arith.select %gt3A_57, %select_n3A_48, %select_n3A_59 : vector<16xi1>, vector<16xf32>
      %select_n3A_61 = arith.select %gt3A_58, %broadcast_in_dim3A_56, %select_n3A_47 : vector<16xi1>, vector<16xi32>
      %select_n3A_62 = arith.select %gt3A_57, %select_n3A_49, %select_n3A_61 : vector<16xi1>, vector<16xi32>
      %select_n3A_63 = arith.select %gt3A_57, %get3A_54, %select_n3A_48 : vector<16xi1>, vector<16xf32>
      %select_n3A_64 = arith.select %gt3A_57, %broadcast_in_dim3A_56, %select_n3A_49 : vector<16xi1>, vector<16xi32>
      %get3A_65 = arith.constant 4 : i32
      %get3A_66 = arith.index_cast %get3A_65 : i32 to index
      %get3A_67 = arith.index_cast %mul3A_12 : i32 to index
      %get3A_68 = tpu.vector_load %arg4[%get3A_66, %get3A_67] {strides = array<i32>} : memref<32x256xf32, #tpu.memory_space<vmem>>, vector<1x16xf32>,
      %get3A_69 = vector.shape_cast %get3A_68 : vector<1x16xf32> to vector<16xf32>
      %broadcast_in_dim3A_70 = arith.constant 4 : i32
      %broadcast_in_dim3A_71 = vector.broadcast %broadcast_in_dim3A_70 : i32 to vector<16xi32>
      %gt3A_72 = arith.cmpf ogt, %get3A_69, %select_n3A_63 : vector<16xf32>
      %gt3A_73 = arith.cmpf ogt, %get3A_69, %select_n3A_60 : vector<16xf32>
      %select_n3A_74 = arith.select %gt3A_73, %get3A_69, %select_n3A_60 : vector<16xi1>, vector<16xf32>
      %select_n3A_75 = arith.select %gt3A_72, %select_n3A_63, %select_n3A_74 : vector<16xi1>, vector<16xf32>
      %select_n3A_76 = arith.select %gt3A_73, %broadcast_in_dim3A_71, %select_n3A_62 : vector<16xi1>, vector<16xi32>
      %select_n3A_77 = arith.select %gt3A_72, %select_n3A_64, %select_n3A_76 : vector<16xi1>, vector<16xi32>
      %select_n3A_78 = arith.select %gt3A_72, %get3A_69, %select_n3A_63 : vector<16xi1>, vector<16xf32>
      %select_n3A_79 = arith.select %gt3A_72, %broadcast_in_dim3A_71, %select_n3A_64 : vector<16xi1>, vector<16xi32>
      %get3A_80 = arith.constant 5 : i32
      %get3A_81 = arith.index_cast %get3A_80 : i32 to index
      %get3A_82 = arith.index_cast %mul3A_12 : i32 to index
      %get3A_83 = tpu.vector_load %arg4[%get3A_81, %get3A_82] {strides = array<i32>} : memref<32x256xf32, #tpu.memory_space<vmem>>, vector<1x16xf32>,
      %get3A_84 = vector.shape_cast %get3A_83 : vector<1x16xf32> to vector<16xf32>
      %broadcast_in_dim3A_85 = arith.constant 5 : i32
      %broadcast_in_dim3A_86 = vector.broadcast %broadcast_in_dim3A_85 : i32 to vector<16xi32>
      %gt3A_87 = arith.cmpf ogt, %get3A_84, %select_n3A_78 : vector<16xf32>
      %gt3A_88 = arith.cmpf ogt, %get3A_84, %select_n3A_75 : vector<16xf32>
      %select_n3A_89 = arith.select %gt3A_88, %get3A_84, %select_n3A_75 : vector<16xi1>, vector<16xf32>
      %select_n3A_90 = arith.select %gt3A_87, %select_n3A_78, %select_n3A_89 : vector<16xi1>, vector<16xf32>
      %select_n3A_91 = arith.select %gt3A_88, %broadcast_in_dim3A_86, %select_n3A_77 : vector<16xi1>, vector<16xi32>
      %select_n3A_92 = arith.select %gt3A_87, %select_n3A_79, %select_n3A_91 : vector<16xi1>, vector<16xi32>
      %select_n3A_93 = arith.select %gt3A_87, %get3A_84, %select_n3A_78 : vector<16xi1>, vector<16xf32>
      %select_n3A_94 = arith.select %gt3A_87, %broadcast_in_dim3A_86, %select_n3A_79 : vector<16xi1>, vector<16xi32>
      %get3A_95 = arith.constant 6 : i32
      %get3A_96 = arith.index_cast %get3A_95 : i32 to index
      %get3A_97 = arith.index_cast %mul3A_12 : i32 to index
      %get3A_98 = tpu.vector_load %arg4[%get3A_96, %get3A_97] {strides = array<i32>} : memref<32x256xf32, #tpu.memory_space<vmem>>, vector<1x16xf32>,
      %get3A_99 = vector.shape_cast %get3A_98 : vector<1x16xf32> to vector<16xf32>
      %broadcast_in_dim3A_100 = arith.constant 6 : i32
      %broadcast_in_dim3A_101 = vector.broadcast %broadcast_in_dim3A_100 : i32 to vector<16xi32>
      %gt3A_102 = arith.cmpf ogt, %get3A_99, %select_n3A_93 : vector<16xf32>
      %gt3A_103 = arith.cmpf ogt, %get3A_99, %select_n3A_90 : vector<16xf32>
      %select_n3A_104 = arith.select %gt3A_103, %get3A_99, %select_n3A_90 : vector<16xi1>, vector<16xf32>
      %select_n3A_105 = arith.select %gt3A_102, %select_n3A_93, %select_n3A_104 : vector<16xi1>, vector<16xf32>
      %select_n3A_106 = arith.select %gt3A_103, %broadcast_in_dim3A_101, %select_n3A_92 : vector<16xi1>, vector<16xi32>
      %select_n3A_107 = arith.select %gt3A_102, %select_n3A_94, %select_n3A_106 : vector<16xi1>, vector<16xi32>
      %select_n3A_108 = arith.select %gt3A_102, %get3A_99, %select_n3A_93 : vector<16xi1>, vector<16xf32>
      %select_n3A_109 = arith.select %gt3A_102, %broadcast_in_dim3A_101, %select_n3A_94 : vector<16xi1>, vector<16xi32>
      %get3A_110 = arith.constant 7 : i32
      %get3A_111 = arith.index_cast %get3A_110 : i32 to index
      %get3A_112 = arith.index_cast %mul3A_12 : i32 to index
      %get3A_113 = tpu.vector_load %arg4[%get3A_111, %get3A_112] {strides = array<i32>} : memref<32x256xf32, #tpu.memory_space<vmem>>, vector<1x16xf32>,
      %get3A_114 = vector.shape_cast %get3A_113 : vector<1x16xf32> to vector<16xf32>
      %broadcast_in_dim3A_115 = arith.constant 7 : i32
      %broadcast_in_dim3A_116 = vector.broadcast %broadcast_in_dim3A_115 : i32 to vector<16xi32>
      %gt3A_117 = arith.cmpf ogt, %get3A_114, %select_n3A_108 : vector<16xf32>
      %gt3A_118 = arith.cmpf ogt, %get3A_114, %select_n3A_105 : vector<16xf32>
      %select_n3A_119 = arith.select %gt3A_118, %get3A_114, %select_n3A_105 : vector<16xi1>, vector<16xf32>
      %select_n3A_120 = arith.select %gt3A_117, %select_n3A_108, %select_n3A_119 : vector<16xi1>, vector<16xf32>
      %select_n3A_121 = arith.select %gt3A_118, %broadcast_in_dim3A_116, %select_n3A_107 : vector<16xi1>, vector<16xi32>
      %select_n3A_122 = arith.select %gt3A_117, %select_n3A_109, %select_n3A_121 : vector<16xi1>, vector<16xi32>
      %select_n3A_123 = arith.select %gt3A_117, %get3A_114, %select_n3A_108 : vector<16xi1>, vector<16xf32>
      %select_n3A_124 = arith.select %gt3A_117, %broadcast_in_dim3A_116, %select_n3A_109 : vector<16xi1>, vector<16xi32>
      %get3A_125 = arith.constant 8 : i32
      %get3A_126 = arith.index_cast %get3A_125 : i32 to index
      %get3A_127 = arith.index_cast %mul3A_12 : i32 to index
      %get3A_128 = tpu.vector_load %arg4[%get3A_126, %get3A_127] {strides = array<i32>} : memref<32x256xf32, #tpu.memory_space<vmem>>, vector<1x16xf32>,
      %get3A_129 = vector.shape_cast %get3A_128 : vector<1x16xf32> to vector<16xf32>
      %broadcast_in_dim3A_130 = arith.constant 8 : i32
      %broadcast_in_dim3A_131 = vector.broadcast %broadcast_in_dim3A_130 : i32 to vector<16xi32>
      %gt3A_132 = arith.cmpf ogt, %get3A_129, %select_n3A_123 : vector<16xf32>
      %gt3A_133 = arith.cmpf ogt, %get3A_129, %select_n3A_120 : vector<16xf32>
      %select_n3A_134 = arith.select %gt3A_133, %get3A_129, %select_n3A_120 : vector<16xi1>, vector<16xf32>
      %select_n3A_135 = arith.select %gt3A_132, %select_n3A_123, %select_n3A_134 : vector<16xi1>, vector<16xf32>
      %select_n3A_136 = arith.select %gt3A_133, %broadcast_in_dim3A_131, %select_n3A_122 : vector<16xi1>, vector<16xi32>
      %select_n3A_137 = arith.select %gt3A_132, %select_n3A_124, %select_n3A_136 : vector<16xi1>, vector<16xi32>
      %select_n3A_138 = arith.select %gt3A_132, %get3A_129, %select_n3A_123 : vector<16xi1>, vector<16xf32>
      %select_n3A_139 = arith.select %gt3A_132, %broadcast_in_dim3A_131, %select_n3A_124 : vector<16xi1>, vector<16xi32>
      %get3A_140 = arith.constant 9 : i32
      %get3A_141 = arith.index_cast %get3A_140 : i32 to index
      %get3A_142 = arith.index_cast %mul3A_12 : i32 to index
      %get3A_143 = tpu.vector_load %arg4[%get3A_141, %get3A_142] {strides = array<i32>} : memref<32x256xf32, #tpu.memory_space<vmem>>, vector<1x16xf32>,
      %get3A_144 = vector.shape_cast %get3A_143 : vector<1x16xf32> to vector<16xf32>
      %broadcast_in_dim3A_145 = arith.constant 9 : i32
      %broadcast_in_dim3A_146 = vector.broadcast %broadcast_in_dim3A_145 : i32 to vector<16xi32>
      %gt3A_147 = arith.cmpf ogt, %get3A_144, %select_n3A_138 : vector<16xf32>
      %gt3A_148 = arith.cmpf ogt, %get3A_144, %select_n3A_135 : vector<16xf32>
      %select_n3A_149 = arith.select %gt3A_148, %get3A_144, %select_n3A_135 : vector<16xi1>, vector<16xf32>
      %select_n3A_150 = arith.select %gt3A_147, %select_n3A_138, %select_n3A_149 : vector<16xi1>, vector<16xf32>
      %select_n3A_151 = arith.select %gt3A_148, %broadcast_in_dim3A_146, %select_n3A_137 : vector<16xi1>, vector<16xi32>
      %select_n3A_152 = arith.select %gt3A_147, %select_n3A_139, %select_n3A_151 : vector<16xi1>, vector<16xi32>
      %select_n3A_153 = arith.select %gt3A_147, %get3A_144, %select_n3A_138 : vector<16xi1>, vector<16xf32>
      %select_n3A_154 = arith.select %gt3A_147, %broadcast_in_dim3A_146, %select_n3A_139 : vector<16xi1>, vector<16xi32>
      %get3A_155 = arith.constant 10 : i32
      %get3A_156 = arith.index_cast %get3A_155 : i32 to index
      %get3A_157 = arith.index_cast %mul3A_12 : i32 to index
      %get3A_158 = tpu.vector_load %arg4[%get3A_156, %get3A_157] {strides = array<i32>} : memref<32x256xf32, #tpu.memory_space<vmem>>, vector<1x16xf32>,
      %get3A_159 = vector.shape_cast %get3A_158 : vector<1x16xf32> to vector<16xf32>
      %broadcast_in_dim3A_160 = arith.constant 10 : i32
      %broadcast_in_dim3A_161 = vector.broadcast %broadcast_in_dim3A_160 : i32 to vector<16xi32>
      %gt3A_162 = arith.cmpf ogt, %get3A_159, %select_n3A_153 : vector<16xf32>
      %gt3A_163 = arith.cmpf ogt, %get3A_159, %select_n3A_150 : vector<16xf32>
      %select_n3A_164 = arith.select %gt3A_163, %get3A_159, %select_n3A_150 : vector<16xi1>, vector<16xf32>
      %select_n3A_165 = arith.select %gt3A_162, %select_n3A_153, %select_n3A_164 : vector<16xi1>, vector<16xf32>
      %select_n3A_166 = arith.select %gt3A_163, %broadcast_in_dim3A_161, %select_n3A_152 : vector<16xi1>, vector<16xi32>
      %select_n3A_167 = arith.select %gt3A_162, %select_n3A_154, %select_n3A_166 : vector<16xi1>, vector<16xi32>
      %select_n3A_168 = arith.select %gt3A_162, %get3A_159, %select_n3A_153 : vector<16xi1>, vector<16xf32>
      %select_n3A_169 = arith.select %gt3A_162, %broadcast_in_dim3A_161, %select_n3A_154 : vector<16xi1>, vector<16xi32>
      %get3A_170 = arith.constant 11 : i32
      %get3A_171 = arith.index_cast %get3A_170 : i32 to index
      %get3A_172 = arith.index_cast %mul3A_12 : i32 to index
      %get3A_173 = tpu.vector_load %arg4[%get3A_171, %get3A_172] {strides = array<i32>} : memref<32x256xf32, #tpu.memory_space<vmem>>, vector<1x16xf32>,
      %get3A_174 = vector.shape_cast %get3A_173 : vector<1x16xf32> to vector<16xf32>
      %broadcast_in_dim3A_175 = arith.constant 11 : i32
      %broadcast_in_dim3A_176 = vector.broadcast %broadcast_in_dim3A_175 : i32 to vector<16xi32>
      %gt3A_177 = arith.cmpf ogt, %get3A_174, %select_n3A_168 : vector<16xf32>
      %gt3A_178 = arith.cmpf ogt, %get3A_174, %select_n3A_165 : vector<16xf32>
      %select_n3A_179 = arith.select %gt3A_178, %get3A_174, %select_n3A_165 : vector<16xi1>, vector<16xf32>
      %select_n3A_180 = arith.select %gt3A_177, %select_n3A_168, %select_n3A_179 : vector<16xi1>, vector<16xf32>
      %select_n3A_181 = arith.select %gt3A_178, %broadcast_in_dim3A_176, %select_n3A_167 : vector<16xi1>, vector<16xi32>
      %select_n3A_182 = arith.select %gt3A_177, %select_n3A_169, %select_n3A_181 : vector<16xi1>, vector<16xi32>
      %select_n3A_183 = arith.select %gt3A_177, %get3A_174, %select_n3A_168 : vector<16xi1>, vector<16xf32>
      %select_n3A_184 = arith.select %gt3A_177, %broadcast_in_dim3A_176, %select_n3A_169 : vector<16xi1>, vector<16xi32>
      %get3A_185 = arith.constant 12 : i32
      %get3A_186 = arith.index_cast %get3A_185 : i32 to index
      %get3A_187 = arith.index_cast %mul3A_12 : i32 to index
      %get3A_188 = tpu.vector_load %arg4[%get3A_186, %get3A_187] {strides = array<i32>} : memref<32x256xf32, #tpu.memory_space<vmem>>, vector<1x16xf32>,
      %get3A_189 = vector.shape_cast %get3A_188 : vector<1x16xf32> to vector<16xf32>
      %broadcast_in_dim3A_190 = arith.constant 12 : i32
      %broadcast_in_dim3A_191 = vector.broadcast %broadcast_in_dim3A_190 : i32 to vector<16xi32>
      %gt3A_192 = arith.cmpf ogt, %get3A_189, %select_n3A_183 : vector<16xf32>
      %gt3A_193 = arith.cmpf ogt, %get3A_189, %select_n3A_180 : vector<16xf32>
      %select_n3A_194 = arith.select %gt3A_193, %get3A_189, %select_n3A_180 : vector<16xi1>, vector<16xf32>
      %select_n3A_195 = arith.select %gt3A_192, %select_n3A_183, %select_n3A_194 : vector<16xi1>, vector<16xf32>
      %select_n3A_196 = arith.select %gt3A_193, %broadcast_in_dim3A_191, %select_n3A_182 : vector<16xi1>, vector<16xi32>
      %select_n3A_197 = arith.select %gt3A_192, %select_n3A_184, %select_n3A_196 : vector<16xi1>, vector<16xi32>
      %select_n3A_198 = arith.select %gt3A_192, %get3A_189, %select_n3A_183 : vector<16xi1>, vector<16xf32>
      %select_n3A_199 = arith.select %gt3A_192, %broadcast_in_dim3A_191, %select_n3A_184 : vector<16xi1>, vector<16xi32>
      %get3A_200 = arith.constant 13 : i32
      %get3A_201 = arith.index_cast %get3A_200 : i32 to index
      %get3A_202 = arith.index_cast %mul3A_12 : i32 to index
      %get3A_203 = tpu.vector_load %arg4[%get3A_201, %get3A_202] {strides = array<i32>} : memref<32x256xf32, #tpu.memory_space<vmem>>, vector<1x16xf32>,
      %get3A_204 = vector.shape_cast %get3A_203 : vector<1x16xf32> to vector<16xf32>
      %broadcast_in_dim3A_205 = arith.constant 13 : i32
      %broadcast_in_dim3A_206 = vector.broadcast %broadcast_in_dim3A_205 : i32 to vector<16xi32>
      %gt3A_207 = arith.cmpf ogt, %get3A_204, %select_n3A_198 : vector<16xf32>
      %gt3A_208 = arith.cmpf ogt, %get3A_204, %select_n3A_195 : vector<16xf32>
      %select_n3A_209 = arith.select %gt3A_208, %get3A_204, %select_n3A_195 : vector<16xi1>, vector<16xf32>
      %select_n3A_210 = arith.select %gt3A_207, %select_n3A_198, %select_n3A_209 : vector<16xi1>, vector<16xf32>
      %select_n3A_211 = arith.select %gt3A_208, %broadcast_in_dim3A_206, %select_n3A_197 : vector<16xi1>, vector<16xi32>
      %select_n3A_212 = arith.select %gt3A_207, %select_n3A_199, %select_n3A_211 : vector<16xi1>, vector<16xi32>
      %select_n3A_213 = arith.select %gt3A_207, %get3A_204, %select_n3A_198 : vector<16xi1>, vector<16xf32>
      %select_n3A_214 = arith.select %gt3A_207, %broadcast_in_dim3A_206, %select_n3A_199 : vector<16xi1>, vector<16xi32>
      %get3A_215 = arith.constant 14 : i32
      %get3A_216 = arith.index_cast %get3A_215 : i32 to index
      %get3A_217 = arith.index_cast %mul3A_12 : i32 to index
      %get3A_218 = tpu.vector_load %arg4[%get3A_216, %get3A_217] {strides = array<i32>} : memref<32x256xf32, #tpu.memory_space<vmem>>, vector<1x16xf32>,
      %get3A_219 = vector.shape_cast %get3A_218 : vector<1x16xf32> to vector<16xf32>
      %broadcast_in_dim3A_220 = arith.constant 14 : i32
      %broadcast_in_dim3A_221 = vector.broadcast %broadcast_in_dim3A_220 : i32 to vector<16xi32>
      %gt3A_222 = arith.cmpf ogt, %get3A_219, %select_n3A_213 : vector<16xf32>
      %gt3A_223 = arith.cmpf ogt, %get3A_219, %select_n3A_210 : vector<16xf32>
      %select_n3A_224 = arith.select %gt3A_223, %get3A_219, %select_n3A_210 : vector<16xi1>, vector<16xf32>
      %select_n3A_225 = arith.select %gt3A_222, %select_n3A_213, %select_n3A_224 : vector<16xi1>, vector<16xf32>
      %select_n3A_226 = arith.select %gt3A_223, %broadcast_in_dim3A_221, %select_n3A_212 : vector<16xi1>, vector<16xi32>
      %select_n3A_227 = arith.select %gt3A_222, %select_n3A_214, %select_n3A_226 : vector<16xi1>, vector<16xi32>
      %select_n3A_228 = arith.select %gt3A_222, %get3A_219, %select_n3A_213 : vector<16xi1>, vector<16xf32>
      %select_n3A_229 = arith.select %gt3A_222, %broadcast_in_dim3A_221, %select_n3A_214 : vector<16xi1>, vector<16xi32>
      %get3A_230 = arith.constant 15 : i32
      %get3A_231 = arith.index_cast %get3A_230 : i32 to index
      %get3A_232 = arith.index_cast %mul3A_12 : i32 to index
      %get3A_233 = tpu.vector_load %arg4[%get3A_231, %get3A_232] {strides = array<i32>} : memref<32x256xf32, #tpu.memory_space<vmem>>, vector<1x16xf32>,
      %get3A_234 = vector.shape_cast %get3A_233 : vector<1x16xf32> to vector<16xf32>
      %broadcast_in_dim3A_235 = arith.constant 15 : i32
      %broadcast_in_dim3A_236 = vector.broadcast %broadcast_in_dim3A_235 : i32 to vector<16xi32>
      %gt3A_237 = arith.cmpf ogt, %get3A_234, %select_n3A_228 : vector<16xf32>
      %gt3A_238 = arith.cmpf ogt, %get3A_234, %select_n3A_225 : vector<16xf32>
      %select_n3A_239 = arith.select %gt3A_238, %get3A_234, %select_n3A_225 : vector<16xi1>, vector<16xf32>
      %select_n3A_240 = arith.select %gt3A_237, %select_n3A_228, %select_n3A_239 : vector<16xi1>, vector<16xf32>
      %select_n3A_241 = arith.select %gt3A_238, %broadcast_in_dim3A_236, %select_n3A_227 : vector<16xi1>, vector<16xi32>
      %select_n3A_242 = arith.select %gt3A_237, %select_n3A_229, %select_n3A_241 : vector<16xi1>, vector<16xi32>
      %select_n3A_243 = arith.select %gt3A_237, %get3A_234, %select_n3A_228 : vector<16xi1>, vector<16xf32>
      %select_n3A_244 = arith.select %gt3A_237, %broadcast_in_dim3A_236, %select_n3A_229 : vector<16xi1>, vector<16xi32>
      %broadcast_in_dim3A_245 = arith.constant 0.000000e+00 : f32
      %broadcast_in_dim3A_246 = vector.broadcast %broadcast_in_dim3A_245 : f32 to vector<16xf32>
      %broadcast_in_dim3A_247 = arith.constant 0.000000e+00 : f32
      %broadcast_in_dim3A_248 = vector.broadcast %broadcast_in_dim3A_247 : f32 to vector<16xf32>
      %get3A_249 = arith.constant 16 : i32
      %get3A_250 = arith.index_cast %get3A_249 : i32 to index
      %get3A_251 = arith.index_cast %mul3A_12 : i32 to index
      %get3A_252 = tpu.vector_load %arg4[%get3A_250, %get3A_251] {strides = array<i32>} : memref<32x256xf32, #tpu.memory_space<vmem>>, vector<1x16xf32>,
      %get3A_253 = vector.shape_cast %get3A_252 : vector<1x16xf32> to vector<16xf32>
      %neg3A = arith.constant 0.000000e+00 : f32
      %neg3A_254 = vector.broadcast %neg3A : f32 to vector<16xf32>
      %neg3A_255 = arith.subf %neg3A_254, %get3A_253 : vector<16xf32>
      %exp3A = math.exp %neg3A_255 : vector<16xf32>
      %add3A_256 = arith.constant 1.000000e+00 : f32
      %add3A_257 = vector.broadcast %add3A_256 : f32 to vector<16xf32>
      %add3A_258 = arith.addf %add3A_257, %exp3A : vector<16xf32>
      %div3A = arith.constant 1.000000e+00 : f32
      %div3A_259 = vector.broadcast %div3A : f32 to vector<16xf32>
      %div3A_260 = arith.divf %div3A_259, %add3A_258 : vector<16xf32>
      %eq3A = arith.constant 0 : i32
      %eq3A_261 = vector.broadcast %eq3A : i32 to vector<16xi32>
      %eq3A_262 = arith.cmpi eq, %select_n3A_244, %eq3A_261 : vector<16xi32>
      %select_n3A_263 = arith.select %eq3A_262, %div3A_260, %broadcast_in_dim3A_246 : vector<16xi1>, vector<16xf32>
      %eq3A_264 = arith.constant 0 : i32
      %eq3A_265 = vector.broadcast %eq3A_264 : i32 to vector<16xi32>
      %eq3A_266 = arith.cmpi eq, %select_n3A_242, %eq3A_265 : vector<16xi32>
      %select_n3A_267 = arith.select %eq3A_266, %div3A_260, %broadcast_in_dim3A_248 : vector<16xi1>, vector<16xf32>
      %get3A_268 = arith.constant 17 : i32
      %get3A_269 = arith.index_cast %get3A_268 : i32 to index
      %get3A_270 = arith.index_cast %mul3A_12 : i32 to index
      %get3A_271 = tpu.vector_load %arg4[%get3A_269, %get3A_270] {strides = array<i32>} : memref<32x256xf32, #tpu.memory_space<vmem>>, vector<1x16xf32>,
      %get3A_272 = vector.shape_cast %get3A_271 : vector<1x16xf32> to vector<16xf32>
      %neg3A_273 = arith.constant 0.000000e+00 : f32
      %neg3A_274 = vector.broadcast %neg3A_273 : f32 to vector<16xf32>
      %neg3A_275 = arith.subf %neg3A_274, %get3A_272 : vector<16xf32>
      %exp3A_276 = math.exp %neg3A_275 : vector<16xf32>
      %add3A_277 = arith.constant 1.000000e+00 : f32
      %add3A_278 = vector.broadcast %add3A_277 : f32 to vector<16xf32>
      %add3A_279 = arith.addf %add3A_278, %exp3A_276 : vector<16xf32>
      %div3A_280 = arith.constant 1.000000e+00 : f32
      %div3A_281 = vector.broadcast %div3A_280 : f32 to vector<16xf32>
      %div3A_282 = arith.divf %div3A_281, %add3A_279 : vector<16xf32>
      %eq3A_283 = arith.constant 1 : i32
      %eq3A_284 = vector.broadcast %eq3A_283 : i32 to vector<16xi32>
      %eq3A_285 = arith.cmpi eq, %select_n3A_244, %eq3A_284 : vector<16xi32>
      %select_n3A_286 = arith.select %eq3A_285, %div3A_282, %select_n3A_263 : vector<16xi1>, vector<16xf32>
      %eq3A_287 = arith.constant 1 : i32
      %eq3A_288 = vector.broadcast %eq3A_287 : i32 to vector<16xi32>
      %eq3A_289 = arith.cmpi eq, %select_n3A_242, %eq3A_288 : vector<16xi32>
      %select_n3A_290 = arith.select %eq3A_289, %div3A_282, %select_n3A_267 : vector<16xi1>, vector<16xf32>
      %get3A_291 = arith.constant 18 : i32
      %get3A_292 = arith.index_cast %get3A_291 : i32 to index
      %get3A_293 = arith.index_cast %mul3A_12 : i32 to index
      %get3A_294 = tpu.vector_load %arg4[%get3A_292, %get3A_293] {strides = array<i32>} : memref<32x256xf32, #tpu.memory_space<vmem>>, vector<1x16xf32>,
      %get3A_295 = vector.shape_cast %get3A_294 : vector<1x16xf32> to vector<16xf32>
      %neg3A_296 = arith.constant 0.000000e+00 : f32
      %neg3A_297 = vector.broadcast %neg3A_296 : f32 to vector<16xf32>
      %neg3A_298 = arith.subf %neg3A_297, %get3A_295 : vector<16xf32>
      %exp3A_299 = math.exp %neg3A_298 : vector<16xf32>
      %add3A_300 = arith.constant 1.000000e+00 : f32
      %add3A_301 = vector.broadcast %add3A_300 : f32 to vector<16xf32>
      %add3A_302 = arith.addf %add3A_301, %exp3A_299 : vector<16xf32>
      %div3A_303 = arith.constant 1.000000e+00 : f32
      %div3A_304 = vector.broadcast %div3A_303 : f32 to vector<16xf32>
      %div3A_305 = arith.divf %div3A_304, %add3A_302 : vector<16xf32>
      %eq3A_306 = arith.constant 2 : i32
      %eq3A_307 = vector.broadcast %eq3A_306 : i32 to vector<16xi32>
      %eq3A_308 = arith.cmpi eq, %select_n3A_244, %eq3A_307 : vector<16xi32>
      %select_n3A_309 = arith.select %eq3A_308, %div3A_305, %select_n3A_286 : vector<16xi1>, vector<16xf32>
      %eq3A_310 = arith.constant 2 : i32
      %eq3A_311 = vector.broadcast %eq3A_310 : i32 to vector<16xi32>
      %eq3A_312 = arith.cmpi eq, %select_n3A_242, %eq3A_311 : vector<16xi32>
      %select_n3A_313 = arith.select %eq3A_312, %div3A_305, %select_n3A_290 : vector<16xi1>, vector<16xf32>
      %get3A_314 = arith.constant 19 : i32
      %get3A_315 = arith.index_cast %get3A_314 : i32 to index
      %get3A_316 = arith.index_cast %mul3A_12 : i32 to index
      %get3A_317 = tpu.vector_load %arg4[%get3A_315, %get3A_316] {strides = array<i32>} : memref<32x256xf32, #tpu.memory_space<vmem>>, vector<1x16xf32>,
      %get3A_318 = vector.shape_cast %get3A_317 : vector<1x16xf32> to vector<16xf32>
      %neg3A_319 = arith.constant 0.000000e+00 : f32
      %neg3A_320 = vector.broadcast %neg3A_319 : f32 to vector<16xf32>
      %neg3A_321 = arith.subf %neg3A_320, %get3A_318 : vector<16xf32>
      %exp3A_322 = math.exp %neg3A_321 : vector<16xf32>
      %add3A_323 = arith.constant 1.000000e+00 : f32
      %add3A_324 = vector.broadcast %add3A_323 : f32 to vector<16xf32>
      %add3A_325 = arith.addf %add3A_324, %exp3A_322 : vector<16xf32>
      %div3A_326 = arith.constant 1.000000e+00 : f32
      %div3A_327 = vector.broadcast %div3A_326 : f32 to vector<16xf32>
      %div3A_328 = arith.divf %div3A_327, %add3A_325 : vector<16xf32>
      %eq3A_329 = arith.constant 3 : i32
      %eq3A_330 = vector.broadcast %eq3A_329 : i32 to vector<16xi32>
      %eq3A_331 = arith.cmpi eq, %select_n3A_244, %eq3A_330 : vector<16xi32>
      %select_n3A_332 = arith.select %eq3A_331, %div3A_328, %select_n3A_309 : vector<16xi1>, vector<16xf32>
      %eq3A_333 = arith.constant 3 : i32
      %eq3A_334 = vector.broadcast %eq3A_333 : i32 to vector<16xi32>
      %eq3A_335 = arith.cmpi eq, %select_n3A_242, %eq3A_334 : vector<16xi32>
      %select_n3A_336 = arith.select %eq3A_335, %div3A_328, %select_n3A_313 : vector<16xi1>, vector<16xf32>
      %get3A_337 = arith.constant 20 : i32
      %get3A_338 = arith.index_cast %get3A_337 : i32 to index
      %get3A_339 = arith.index_cast %mul3A_12 : i32 to index
      %get3A_340 = tpu.vector_load %arg4[%get3A_338, %get3A_339] {strides = array<i32>} : memref<32x256xf32, #tpu.memory_space<vmem>>, vector<1x16xf32>,
      %get3A_341 = vector.shape_cast %get3A_340 : vector<1x16xf32> to vector<16xf32>
      %neg3A_342 = arith.constant 0.000000e+00 : f32
      %neg3A_343 = vector.broadcast %neg3A_342 : f32 to vector<16xf32>
      %neg3A_344 = arith.subf %neg3A_343, %get3A_341 : vector<16xf32>
      %exp3A_345 = math.exp %neg3A_344 : vector<16xf32>
      %add3A_346 = arith.constant 1.000000e+00 : f32
      %add3A_347 = vector.broadcast %add3A_346 : f32 to vector<16xf32>
      %add3A_348 = arith.addf %add3A_347, %exp3A_345 : vector<16xf32>
      %div3A_349 = arith.constant 1.000000e+00 : f32
      %div3A_350 = vector.broadcast %div3A_349 : f32 to vector<16xf32>
      %div3A_351 = arith.divf %div3A_350, %add3A_348 : vector<16xf32>
      %eq3A_352 = arith.constant 4 : i32
      %eq3A_353 = vector.broadcast %eq3A_352 : i32 to vector<16xi32>
      %eq3A_354 = arith.cmpi eq, %select_n3A_244, %eq3A_353 : vector<16xi32>
      %select_n3A_355 = arith.select %eq3A_354, %div3A_351, %select_n3A_332 : vector<16xi1>, vector<16xf32>
      %eq3A_356 = arith.constant 4 : i32
      %eq3A_357 = vector.broadcast %eq3A_356 : i32 to vector<16xi32>
      %eq3A_358 = arith.cmpi eq, %select_n3A_242, %eq3A_357 : vector<16xi32>
      %select_n3A_359 = arith.select %eq3A_358, %div3A_351, %select_n3A_336 : vector<16xi1>, vector<16xf32>
      %get3A_360 = arith.constant 21 : i32
      %get3A_361 = arith.index_cast %get3A_360 : i32 to index
      %get3A_362 = arith.index_cast %mul3A_12 : i32 to index
      %get3A_363 = tpu.vector_load %arg4[%get3A_361, %get3A_362] {strides = array<i32>} : memref<32x256xf32, #tpu.memory_space<vmem>>, vector<1x16xf32>,
      %get3A_364 = vector.shape_cast %get3A_363 : vector<1x16xf32> to vector<16xf32>
      %neg3A_365 = arith.constant 0.000000e+00 : f32
      %neg3A_366 = vector.broadcast %neg3A_365 : f32 to vector<16xf32>
      %neg3A_367 = arith.subf %neg3A_366, %get3A_364 : vector<16xf32>
      %exp3A_368 = math.exp %neg3A_367 : vector<16xf32>
      %add3A_369 = arith.constant 1.000000e+00 : f32
      %add3A_370 = vector.broadcast %add3A_369 : f32 to vector<16xf32>
      %add3A_371 = arith.addf %add3A_370, %exp3A_368 : vector<16xf32>
      %div3A_372 = arith.constant 1.000000e+00 : f32
      %div3A_373 = vector.broadcast %div3A_372 : f32 to vector<16xf32>
      %div3A_374 = arith.divf %div3A_373, %add3A_371 : vector<16xf32>
      %eq3A_375 = arith.constant 5 : i32
      %eq3A_376 = vector.broadcast %eq3A_375 : i32 to vector<16xi32>
      %eq3A_377 = arith.cmpi eq, %select_n3A_244, %eq3A_376 : vector<16xi32>
      %select_n3A_378 = arith.select %eq3A_377, %div3A_374, %select_n3A_355 : vector<16xi1>, vector<16xf32>
      %eq3A_379 = arith.constant 5 : i32
      %eq3A_380 = vector.broadcast %eq3A_379 : i32 to vector<16xi32>
      %eq3A_381 = arith.cmpi eq, %select_n3A_242, %eq3A_380 : vector<16xi32>
      %select_n3A_382 = arith.select %eq3A_381, %div3A_374, %select_n3A_359 : vector<16xi1>, vector<16xf32>
      %get3A_383 = arith.constant 22 : i32
      %get3A_384 = arith.index_cast %get3A_383 : i32 to index
      %get3A_385 = arith.index_cast %mul3A_12 : i32 to index
      %get3A_386 = tpu.vector_load %arg4[%get3A_384, %get3A_385] {strides = array<i32>} : memref<32x256xf32, #tpu.memory_space<vmem>>, vector<1x16xf32>,
      %get3A_387 = vector.shape_cast %get3A_386 : vector<1x16xf32> to vector<16xf32>
      %neg3A_388 = arith.constant 0.000000e+00 : f32
      %neg3A_389 = vector.broadcast %neg3A_388 : f32 to vector<16xf32>
      %neg3A_390 = arith.subf %neg3A_389, %get3A_387 : vector<16xf32>
      %exp3A_391 = math.exp %neg3A_390 : vector<16xf32>
      %add3A_392 = arith.constant 1.000000e+00 : f32
      %add3A_393 = vector.broadcast %add3A_392 : f32 to vector<16xf32>
      %add3A_394 = arith.addf %add3A_393, %exp3A_391 : vector<16xf32>
      %div3A_395 = arith.constant 1.000000e+00 : f32
      %div3A_396 = vector.broadcast %div3A_395 : f32 to vector<16xf32>
      %div3A_397 = arith.divf %div3A_396, %add3A_394 : vector<16xf32>
      %eq3A_398 = arith.constant 6 : i32
      %eq3A_399 = vector.broadcast %eq3A_398 : i32 to vector<16xi32>
      %eq3A_400 = arith.cmpi eq, %select_n3A_244, %eq3A_399 : vector<16xi32>
      %select_n3A_401 = arith.select %eq3A_400, %div3A_397, %select_n3A_378 : vector<16xi1>, vector<16xf32>
      %eq3A_402 = arith.constant 6 : i32
      %eq3A_403 = vector.broadcast %eq3A_402 : i32 to vector<16xi32>
      %eq3A_404 = arith.cmpi eq, %select_n3A_242, %eq3A_403 : vector<16xi32>
      %select_n3A_405 = arith.select %eq3A_404, %div3A_397, %select_n3A_382 : vector<16xi1>, vector<16xf32>
      %get3A_406 = arith.constant 23 : i32
      %get3A_407 = arith.index_cast %get3A_406 : i32 to index
      %get3A_408 = arith.index_cast %mul3A_12 : i32 to index
      %get3A_409 = tpu.vector_load %arg4[%get3A_407, %get3A_408] {strides = array<i32>} : memref<32x256xf32, #tpu.memory_space<vmem>>, vector<1x16xf32>,
      %get3A_410 = vector.shape_cast %get3A_409 : vector<1x16xf32> to vector<16xf32>
      %neg3A_411 = arith.constant 0.000000e+00 : f32
      %neg3A_412 = vector.broadcast %neg3A_411 : f32 to vector<16xf32>
      %neg3A_413 = arith.subf %neg3A_412, %get3A_410 : vector<16xf32>
      %exp3A_414 = math.exp %neg3A_413 : vector<16xf32>
      %add3A_415 = arith.constant 1.000000e+00 : f32
      %add3A_416 = vector.broadcast %add3A_415 : f32 to vector<16xf32>
      %add3A_417 = arith.addf %add3A_416, %exp3A_414 : vector<16xf32>
      %div3A_418 = arith.constant 1.000000e+00 : f32
      %div3A_419 = vector.broadcast %div3A_418 : f32 to vector<16xf32>
      %div3A_420 = arith.divf %div3A_419, %add3A_417 : vector<16xf32>
      %eq3A_421 = arith.constant 7 : i32
      %eq3A_422 = vector.broadcast %eq3A_421 : i32 to vector<16xi32>
      %eq3A_423 = arith.cmpi eq, %select_n3A_244, %eq3A_422 : vector<16xi32>
      %select_n3A_424 = arith.select %eq3A_423, %div3A_420, %select_n3A_401 : vector<16xi1>, vector<16xf32>
      %eq3A_425 = arith.constant 7 : i32
      %eq3A_426 = vector.broadcast %eq3A_425 : i32 to vector<16xi32>
      %eq3A_427 = arith.cmpi eq, %select_n3A_242, %eq3A_426 : vector<16xi32>
      %select_n3A_428 = arith.select %eq3A_427, %div3A_420, %select_n3A_405 : vector<16xi1>, vector<16xf32>
      %get3A_429 = arith.constant 24 : i32
      %get3A_430 = arith.index_cast %get3A_429 : i32 to index
      %get3A_431 = arith.index_cast %mul3A_12 : i32 to index
      %get3A_432 = tpu.vector_load %arg4[%get3A_430, %get3A_431] {strides = array<i32>} : memref<32x256xf32, #tpu.memory_space<vmem>>, vector<1x16xf32>,
      %get3A_433 = vector.shape_cast %get3A_432 : vector<1x16xf32> to vector<16xf32>
      %neg3A_434 = arith.constant 0.000000e+00 : f32
      %neg3A_435 = vector.broadcast %neg3A_434 : f32 to vector<16xf32>
      %neg3A_436 = arith.subf %neg3A_435, %get3A_433 : vector<16xf32>
      %exp3A_437 = math.exp %neg3A_436 : vector<16xf32>
      %add3A_438 = arith.constant 1.000000e+00 : f32
      %add3A_439 = vector.broadcast %add3A_438 : f32 to vector<16xf32>
      %add3A_440 = arith.addf %add3A_439, %exp3A_437 : vector<16xf32>
      %div3A_441 = arith.constant 1.000000e+00 : f32
      %div3A_442 = vector.broadcast %div3A_441 : f32 to vector<16xf32>
      %div3A_443 = arith.divf %div3A_442, %add3A_440 : vector<16xf32>
      %eq3A_444 = arith.constant 8 : i32
      %eq3A_445 = vector.broadcast %eq3A_444 : i32 to vector<16xi32>
      %eq3A_446 = arith.cmpi eq, %select_n3A_244, %eq3A_445 : vector<16xi32>
      %select_n3A_447 = arith.select %eq3A_446, %div3A_443, %select_n3A_424 : vector<16xi1>, vector<16xf32>
      %eq3A_448 = arith.constant 8 : i32
      %eq3A_449 = vector.broadcast %eq3A_448 : i32 to vector<16xi32>
      %eq3A_450 = arith.cmpi eq, %select_n3A_242, %eq3A_449 : vector<16xi32>
      %select_n3A_451 = arith.select %eq3A_450, %div3A_443, %select_n3A_428 : vector<16xi1>, vector<16xf32>
      %get3A_452 = arith.constant 25 : i32
      %get3A_453 = arith.index_cast %get3A_452 : i32 to index
      %get3A_454 = arith.index_cast %mul3A_12 : i32 to index
      %get3A_455 = tpu.vector_load %arg4[%get3A_453, %get3A_454] {strides = array<i32>} : memref<32x256xf32, #tpu.memory_space<vmem>>, vector<1x16xf32>,
      %get3A_456 = vector.shape_cast %get3A_455 : vector<1x16xf32> to vector<16xf32>
      %neg3A_457 = arith.constant 0.000000e+00 : f32
      %neg3A_458 = vector.broadcast %neg3A_457 : f32 to vector<16xf32>
      %neg3A_459 = arith.subf %neg3A_458, %get3A_456 : vector<16xf32>
      %exp3A_460 = math.exp %neg3A_459 : vector<16xf32>
      %add3A_461 = arith.constant 1.000000e+00 : f32
      %add3A_462 = vector.broadcast %add3A_461 : f32 to vector<16xf32>
      %add3A_463 = arith.addf %add3A_462, %exp3A_460 : vector<16xf32>
      %div3A_464 = arith.constant 1.000000e+00 : f32
      %div3A_465 = vector.broadcast %div3A_464 : f32 to vector<16xf32>
      %div3A_466 = arith.divf %div3A_465, %add3A_463 : vector<16xf32>
      %eq3A_467 = arith.constant 9 : i32
      %eq3A_468 = vector.broadcast %eq3A_467 : i32 to vector<16xi32>
      %eq3A_469 = arith.cmpi eq, %select_n3A_244, %eq3A_468 : vector<16xi32>
      %select_n3A_470 = arith.select %eq3A_469, %div3A_466, %select_n3A_447 : vector<16xi1>, vector<16xf32>
      %eq3A_471 = arith.constant 9 : i32
      %eq3A_472 = vector.broadcast %eq3A_471 : i32 to vector<16xi32>
      %eq3A_473 = arith.cmpi eq, %select_n3A_242, %eq3A_472 : vector<16xi32>
      %select_n3A_474 = arith.select %eq3A_473, %div3A_466, %select_n3A_451 : vector<16xi1>, vector<16xf32>
      %get3A_475 = arith.constant 26 : i32
      %get3A_476 = arith.index_cast %get3A_475 : i32 to index
      %get3A_477 = arith.index_cast %mul3A_12 : i32 to index
      %get3A_478 = tpu.vector_load %arg4[%get3A_476, %get3A_477] {strides = array<i32>} : memref<32x256xf32, #tpu.memory_space<vmem>>, vector<1x16xf32>,
      %get3A_479 = vector.shape_cast %get3A_478 : vector<1x16xf32> to vector<16xf32>
      %neg3A_480 = arith.constant 0.000000e+00 : f32
      %neg3A_481 = vector.broadcast %neg3A_480 : f32 to vector<16xf32>
      %neg3A_482 = arith.subf %neg3A_481, %get3A_479 : vector<16xf32>
      %exp3A_483 = math.exp %neg3A_482 : vector<16xf32>
      %add3A_484 = arith.constant 1.000000e+00 : f32
      %add3A_485 = vector.broadcast %add3A_484 : f32 to vector<16xf32>
      %add3A_486 = arith.addf %add3A_485, %exp3A_483 : vector<16xf32>
      %div3A_487 = arith.constant 1.000000e+00 : f32
      %div3A_488 = vector.broadcast %div3A_487 : f32 to vector<16xf32>
      %div3A_489 = arith.divf %div3A_488, %add3A_486 : vector<16xf32>
      %eq3A_490 = arith.constant 10 : i32
      %eq3A_491 = vector.broadcast %eq3A_490 : i32 to vector<16xi32>
      %eq3A_492 = arith.cmpi eq, %select_n3A_244, %eq3A_491 : vector<16xi32>
      %select_n3A_493 = arith.select %eq3A_492, %div3A_489, %select_n3A_470 : vector<16xi1>, vector<16xf32>
      %eq3A_494 = arith.constant 10 : i32
      %eq3A_495 = vector.broadcast %eq3A_494 : i32 to vector<16xi32>
      %eq3A_496 = arith.cmpi eq, %select_n3A_242, %eq3A_495 : vector<16xi32>
      %select_n3A_497 = arith.select %eq3A_496, %div3A_489, %select_n3A_474 : vector<16xi1>, vector<16xf32>
      %get3A_498 = arith.constant 27 : i32
      %get3A_499 = arith.index_cast %get3A_498 : i32 to index
      %get3A_500 = arith.index_cast %mul3A_12 : i32 to index
      %get3A_501 = tpu.vector_load %arg4[%get3A_499, %get3A_500] {strides = array<i32>} : memref<32x256xf32, #tpu.memory_space<vmem>>, vector<1x16xf32>,
      %get3A_502 = vector.shape_cast %get3A_501 : vector<1x16xf32> to vector<16xf32>
      %neg3A_503 = arith.constant 0.000000e+00 : f32
      %neg3A_504 = vector.broadcast %neg3A_503 : f32 to vector<16xf32>
      %neg3A_505 = arith.subf %neg3A_504, %get3A_502 : vector<16xf32>
      %exp3A_506 = math.exp %neg3A_505 : vector<16xf32>
      %add3A_507 = arith.constant 1.000000e+00 : f32
      %add3A_508 = vector.broadcast %add3A_507 : f32 to vector<16xf32>
      %add3A_509 = arith.addf %add3A_508, %exp3A_506 : vector<16xf32>
      %div3A_510 = arith.constant 1.000000e+00 : f32
      %div3A_511 = vector.broadcast %div3A_510 : f32 to vector<16xf32>
      %div3A_512 = arith.divf %div3A_511, %add3A_509 : vector<16xf32>
      %eq3A_513 = arith.constant 11 : i32
      %eq3A_514 = vector.broadcast %eq3A_513 : i32 to vector<16xi32>
      %eq3A_515 = arith.cmpi eq, %select_n3A_244, %eq3A_514 : vector<16xi32>
      %select_n3A_516 = arith.select %eq3A_515, %div3A_512, %select_n3A_493 : vector<16xi1>, vector<16xf32>
      %eq3A_517 = arith.constant 11 : i32
      %eq3A_518 = vector.broadcast %eq3A_517 : i32 to vector<16xi32>
      %eq3A_519 = arith.cmpi eq, %select_n3A_242, %eq3A_518 : vector<16xi32>
      %select_n3A_520 = arith.select %eq3A_519, %div3A_512, %select_n3A_497 : vector<16xi1>, vector<16xf32>
      %get3A_521 = arith.constant 28 : i32
      %get3A_522 = arith.index_cast %get3A_521 : i32 to index
      %get3A_523 = arith.index_cast %mul3A_12 : i32 to index
      %get3A_524 = tpu.vector_load %arg4[%get3A_522, %get3A_523] {strides = array<i32>} : memref<32x256xf32, #tpu.memory_space<vmem>>, vector<1x16xf32>,
      %get3A_525 = vector.shape_cast %get3A_524 : vector<1x16xf32> to vector<16xf32>
      %neg3A_526 = arith.constant 0.000000e+00 : f32
      %neg3A_527 = vector.broadcast %neg3A_526 : f32 to vector<16xf32>
      %neg3A_528 = arith.subf %neg3A_527, %get3A_525 : vector<16xf32>
      %exp3A_529 = math.exp %neg3A_528 : vector<16xf32>
      %add3A_530 = arith.constant 1.000000e+00 : f32
      %add3A_531 = vector.broadcast %add3A_530 : f32 to vector<16xf32>
      %add3A_532 = arith.addf %add3A_531, %exp3A_529 : vector<16xf32>
      %div3A_533 = arith.constant 1.000000e+00 : f32
      %div3A_534 = vector.broadcast %div3A_533 : f32 to vector<16xf32>
      %div3A_535 = arith.divf %div3A_534, %add3A_532 : vector<16xf32>
      %eq3A_536 = arith.constant 12 : i32
      %eq3A_537 = vector.broadcast %eq3A_536 : i32 to vector<16xi32>
      %eq3A_538 = arith.cmpi eq, %select_n3A_244, %eq3A_537 : vector<16xi32>
      %select_n3A_539 = arith.select %eq3A_538, %div3A_535, %select_n3A_516 : vector<16xi1>, vector<16xf32>
      %eq3A_540 = arith.constant 12 : i32
      %eq3A_541 = vector.broadcast %eq3A_540 : i32 to vector<16xi32>
      %eq3A_542 = arith.cmpi eq, %select_n3A_242, %eq3A_541 : vector<16xi32>
      %select_n3A_543 = arith.select %eq3A_542, %div3A_535, %select_n3A_520 : vector<16xi1>, vector<16xf32>
      %get3A_544 = arith.constant 29 : i32
      %get3A_545 = arith.index_cast %get3A_544 : i32 to index
      %get3A_546 = arith.index_cast %mul3A_12 : i32 to index
      %get3A_547 = tpu.vector_load %arg4[%get3A_545, %get3A_546] {strides = array<i32>} : memref<32x256xf32, #tpu.memory_space<vmem>>, vector<1x16xf32>,
      %get3A_548 = vector.shape_cast %get3A_547 : vector<1x16xf32> to vector<16xf32>
      %neg3A_549 = arith.constant 0.000000e+00 : f32
      %neg3A_550 = vector.broadcast %neg3A_549 : f32 to vector<16xf32>
      %neg3A_551 = arith.subf %neg3A_550, %get3A_548 : vector<16xf32>
      %exp3A_552 = math.exp %neg3A_551 : vector<16xf32>
      %add3A_553 = arith.constant 1.000000e+00 : f32
      %add3A_554 = vector.broadcast %add3A_553 : f32 to vector<16xf32>
      %add3A_555 = arith.addf %add3A_554, %exp3A_552 : vector<16xf32>
      %div3A_556 = arith.constant 1.000000e+00 : f32
      %div3A_557 = vector.broadcast %div3A_556 : f32 to vector<16xf32>
      %div3A_558 = arith.divf %div3A_557, %add3A_555 : vector<16xf32>
      %eq3A_559 = arith.constant 13 : i32
      %eq3A_560 = vector.broadcast %eq3A_559 : i32 to vector<16xi32>
      %eq3A_561 = arith.cmpi eq, %select_n3A_244, %eq3A_560 : vector<16xi32>
      %select_n3A_562 = arith.select %eq3A_561, %div3A_558, %select_n3A_539 : vector<16xi1>, vector<16xf32>
      %eq3A_563 = arith.constant 13 : i32
      %eq3A_564 = vector.broadcast %eq3A_563 : i32 to vector<16xi32>
      %eq3A_565 = arith.cmpi eq, %select_n3A_242, %eq3A_564 : vector<16xi32>
      %select_n3A_566 = arith.select %eq3A_565, %div3A_558, %select_n3A_543 : vector<16xi1>, vector<16xf32>
      %get3A_567 = arith.constant 30 : i32
      %get3A_568 = arith.index_cast %get3A_567 : i32 to index
      %get3A_569 = arith.index_cast %mul3A_12 : i32 to index
      %get3A_570 = tpu.vector_load %arg4[%get3A_568, %get3A_569] {strides = array<i32>} : memref<32x256xf32, #tpu.memory_space<vmem>>, vector<1x16xf32>,
      %get3A_571 = vector.shape_cast %get3A_570 : vector<1x16xf32> to vector<16xf32>
      %neg3A_572 = arith.constant 0.000000e+00 : f32
      %neg3A_573 = vector.broadcast %neg3A_572 : f32 to vector<16xf32>
      %neg3A_574 = arith.subf %neg3A_573, %get3A_571 : vector<16xf32>
      %exp3A_575 = math.exp %neg3A_574 : vector<16xf32>
      %add3A_576 = arith.constant 1.000000e+00 : f32
      %add3A_577 = vector.broadcast %add3A_576 : f32 to vector<16xf32>
      %add3A_578 = arith.addf %add3A_577, %exp3A_575 : vector<16xf32>
      %div3A_579 = arith.constant 1.000000e+00 : f32
      %div3A_580 = vector.broadcast %div3A_579 : f32 to vector<16xf32>
      %div3A_581 = arith.divf %div3A_580, %add3A_578 : vector<16xf32>
      %eq3A_582 = arith.constant 14 : i32
      %eq3A_583 = vector.broadcast %eq3A_582 : i32 to vector<16xi32>
      %eq3A_584 = arith.cmpi eq, %select_n3A_244, %eq3A_583 : vector<16xi32>
      %select_n3A_585 = arith.select %eq3A_584, %div3A_581, %select_n3A_562 : vector<16xi1>, vector<16xf32>
      %eq3A_586 = arith.constant 14 : i32
      %eq3A_587 = vector.broadcast %eq3A_586 : i32 to vector<16xi32>
      %eq3A_588 = arith.cmpi eq, %select_n3A_242, %eq3A_587 : vector<16xi32>
      %select_n3A_589 = arith.select %eq3A_588, %div3A_581, %select_n3A_566 : vector<16xi1>, vector<16xf32>
      %get3A_590 = arith.constant 31 : i32
      %get3A_591 = arith.index_cast %get3A_590 : i32 to index
      %get3A_592 = arith.index_cast %mul3A_12 : i32 to index
      %get3A_593 = tpu.vector_load %arg4[%get3A_591, %get3A_592] {strides = array<i32>} : memref<32x256xf32, #tpu.memory_space<vmem>>, vector<1x16xf32>,
      %get3A_594 = vector.shape_cast %get3A_593 : vector<1x16xf32> to vector<16xf32>
      %neg3A_595 = arith.constant 0.000000e+00 : f32
      %neg3A_596 = vector.broadcast %neg3A_595 : f32 to vector<16xf32>
      %neg3A_597 = arith.subf %neg3A_596, %get3A_594 : vector<16xf32>
      %exp3A_598 = math.exp %neg3A_597 : vector<16xf32>
      %add3A_599 = arith.constant 1.000000e+00 : f32
      %add3A_600 = vector.broadcast %add3A_599 : f32 to vector<16xf32>
      %add3A_601 = arith.addf %add3A_600, %exp3A_598 : vector<16xf32>
      %div3A_602 = arith.constant 1.000000e+00 : f32
      %div3A_603 = vector.broadcast %div3A_602 : f32 to vector<16xf32>
      %div3A_604 = arith.divf %div3A_603, %add3A_601 : vector<16xf32>
      %eq3A_605 = arith.constant 15 : i32
      %eq3A_606 = vector.broadcast %eq3A_605 : i32 to vector<16xi32>
      %eq3A_607 = arith.cmpi eq, %select_n3A_244, %eq3A_606 : vector<16xi32>
      %select_n3A_608 = arith.select %eq3A_607, %div3A_604, %select_n3A_585 : vector<16xi1>, vector<16xf32>
      %eq3A_609 = arith.constant 15 : i32
      %eq3A_610 = vector.broadcast %eq3A_609 : i32 to vector<16xi32>
      %eq3A_611 = arith.cmpi eq, %select_n3A_242, %eq3A_610 : vector<16xi32>
      %select_n3A_612 = arith.select %eq3A_611, %div3A_604, %select_n3A_589 : vector<16xi1>, vector<16xf32>
      %sub3A = arith.subf %select_n3A_240, %select_n3A_243 : vector<16xf32>
      %exp3A_613 = math.exp %sub3A : vector<16xf32>
      %mul3A_614 = arith.mulf %exp3A_613, %select_n3A_612 : vector<16xf32>
      %add3A_615 = arith.addf %select_n3A_608, %mul3A_614 : vector<16xf32>
      %add3A_616 = arith.constant 1.000000e+00 : f32
      %add3A_617 = vector.broadcast %add3A_616 : f32 to vector<16xf32>
      %add3A_618 = arith.addf %add3A_617, %exp3A_613 : vector<16xf32>
      %div3A_619 = arith.divf %add3A_615, %add3A_618 : vector<16xf32>
      %swap3A = arith.index_cast %mul3A_12 : i32 to index
      %swap3A_620 = tpu.vector_load %arg5[%swap3A] {strides = array<i32>} : memref<256xf32, #tpu.memory_space<vmem>>, vector<16xf32>,
      %swap3A_621 = vector.shape_cast %swap3A_620 : vector<16xf32> to vector<16xf32>
      %swap3A_622 = vector.shape_cast %div3A_619 : vector<16xf32> to vector<16xf32>
      tpu.vector_store %arg5[%swap3A], %swap3A_622 {strides = array<i32>} : memref<256xf32, #tpu.memory_space<vmem>>, vector<16xf32>,
      %scan3A_623 = arith.constant 0 : i32
      scf.yield %scan3A_623 : i32
    }
    %scan3A_8 = arith.constant 16 : i32
    "tpu.region"() ({
      %run_scoped3A = tpu.sem_alloc : memref<!tpu.dma_semaphore, #tpu.memory_space<semaphore_mem>>
      %dma_start3A = tpu.memref_slice %arg3[%mul3A_2] : memref<8192xf32, #tpu.memory_space<hbm>> -> memref<256xf32, #tpu.memory_space<hbm>>
      %dma_start3A_9 = tpu.memref_slice %arg3[%mul3A_2] : memref<8192xf32, #tpu.memory_space<hbm>> -> memref<256xf32, #tpu.memory_space<hbm>>
      tpu.enqueue_dma source(%arg5 : memref<256xf32, #tpu.memory_space<vmem>>) target(%dma_start3A_9 : memref<256xf32, #tpu.memory_space<hbm>>) target_semaphore(%run_scoped3A : memref<!tpu.dma_semaphore, #tpu.memory_space<semaphore_mem>>)
      %dma_wait3A = tpu.memref_slice %arg3[%mul3A_2] : memref<8192xf32, #tpu.memory_space<hbm>> -> memref<256xf32, #tpu.memory_space<hbm>>
      %dma_wait3A_10 = tpu.memref_slice %arg3[%mul3A_2] : memref<8192xf32, #tpu.memory_space<hbm>> -> memref<256xf32, #tpu.memory_space<hbm>>
      tpu.wait_dma2 semaphore(%run_scoped3A : memref<!tpu.dma_semaphore, #tpu.memory_space<semaphore_mem>>) src(%arg5 : memref<256xf32, #tpu.memory_space<vmem>>) dst(%dma_wait3A_10 : memref<256xf32, #tpu.memory_space<hbm>>)
      tpu.yield
    }) : () -> ()
    return
  }
}

module attributes {stable_mosaic.version = 14 : i64} {
  func.func @_matmul_body(%arg0: i32, %arg1: memref<1024x2048xf32, #tpu.memory_space<vmem>>, %arg2: memref<32x2048xf32, #tpu.memory_space<vmem>>, %arg3: memref<32x1xf32, #tpu.memory_space<vmem>>, %arg4: memref<4x32x256xf32, #tpu.memory_space<vmem>>) attributes {dimension_semantics = [#tpu.dimension_semantics<arbitrary>], iteration_bounds = array<i64: 8>, scalar_prefetch = 0 : i64, scratch_operands = 0 : i64, tpu.core_type = #tpu.core_type<tc>, window_params = [{transform_indices = @transform_0, window_bounds = array<i64: 1024, 2048>}, {pipeline_mode = #tpu.pipeline_mode<synchronous>, transform_indices = @transform_1, window_bounds = array<i64: 32, 2048>}, {pipeline_mode = #tpu.pipeline_mode<synchronous>, transform_indices = @transform_2, window_bounds = array<i64: 32, 1>}, {transform_indices = @transform_3, window_bounds = array<i64: 4, 32, 256>}]} {
    %get3A = arith.constant 0 : index
    %get3A_0 = arith.constant 0 : index
    %get3A_1 = vector.load %arg2[%get3A, %get3A_0] : memref<32x2048xf32, #tpu.memory_space<vmem>>, vector<32x2048xf32>
    %get3A_2 = arith.constant 0 : index
    %get3A_3 = arith.constant 0 : index
    %get3A_4 = vector.load %arg1[%get3A_2, %get3A_3] : memref<1024x2048xf32, #tpu.memory_space<vmem>>, vector<1024x2048xf32>
    %dot_general3A = arith.constant dense<0.000000e+00> : vector<32x1024xf32>
    %dot_general3A_5 = tpu.matmul %get3A_1, %get3A_4, %dot_general3A {dimension_numbers = #tpu.dot_dimension_numbers<[1], [1], [0], [0], [0, 0, 1, 0], [], []>, transpose_lhs_hint = false} : vector<32x2048xf32>, vector<1024x2048xf32>, vector<32x1024xf32> -> vector<32x1024xf32>
    %get3A_6 = arith.constant 0 : index
    %get3A_7 = arith.constant 0 : index
    %get3A_8 = vector.load %arg3[%get3A_6, %get3A_7] : memref<32x1xf32, #tpu.memory_space<vmem>>, vector<32x1xf32>
    %add3A = vector.broadcast %get3A_8 : vector<32x1xf32> to vector<32x1024xf32>
    %add3A_9 = arith.addf %dot_general3A_5, %add3A : vector<32x1024xf32>
    %slice3A = vector.extract_strided_slice %add3A_9 {offsets = [0, 0], sizes = [32, 256], strides = [1, 1]} : vector<32x1024xf32> to vector<32x256xf32>
    %swap3A = arith.constant 0 : index
    %swap3A_10 = arith.constant 0 : index
    %swap3A_11 = arith.constant 0 : index
    %swap3A_12 = vector.load %arg4[%swap3A, %swap3A_10, %swap3A_11] : memref<4x32x256xf32, #tpu.memory_space<vmem>>, vector<1x32x256xf32>
    %swap3A_13 = vector.shape_cast %swap3A_12 : vector<1x32x256xf32> to vector<32x256xf32>
    %swap3A_14 = vector.shape_cast %slice3A : vector<32x256xf32> to vector<1x32x256xf32>
    tpu.vector_store %arg4[%swap3A, %swap3A_10, %swap3A_11], %swap3A_14 {strides = array<i32>} : memref<4x32x256xf32, #tpu.memory_space<vmem>>, vector<1x32x256xf32>,
    %slice3A_15 = vector.extract_strided_slice %add3A_9 {offsets = [0, 256], sizes = [32, 256], strides = [1, 1]} : vector<32x1024xf32> to vector<32x256xf32>
    %swap3A_16 = arith.constant 1 : index
    %swap3A_17 = arith.constant 0 : index
    %swap3A_18 = arith.constant 0 : index
    %swap3A_19 = vector.load %arg4[%swap3A_16, %swap3A_17, %swap3A_18] : memref<4x32x256xf32, #tpu.memory_space<vmem>>, vector<1x32x256xf32>
    %swap3A_20 = vector.shape_cast %swap3A_19 : vector<1x32x256xf32> to vector<32x256xf32>
    %swap3A_21 = vector.shape_cast %slice3A_15 : vector<32x256xf32> to vector<1x32x256xf32>
    tpu.vector_store %arg4[%swap3A_16, %swap3A_17, %swap3A_18], %swap3A_21 {strides = array<i32>} : memref<4x32x256xf32, #tpu.memory_space<vmem>>, vector<1x32x256xf32>,
    %slice3A_22 = vector.extract_strided_slice %add3A_9 {offsets = [0, 512], sizes = [32, 256], strides = [1, 1]} : vector<32x1024xf32> to vector<32x256xf32>
    %swap3A_23 = arith.constant 2 : index
    %swap3A_24 = arith.constant 0 : index
    %swap3A_25 = arith.constant 0 : index
    %swap3A_26 = vector.load %arg4[%swap3A_23, %swap3A_24, %swap3A_25] : memref<4x32x256xf32, #tpu.memory_space<vmem>>, vector<1x32x256xf32>
    %swap3A_27 = vector.shape_cast %swap3A_26 : vector<1x32x256xf32> to vector<32x256xf32>
    %swap3A_28 = vector.shape_cast %slice3A_22 : vector<32x256xf32> to vector<1x32x256xf32>
    tpu.vector_store %arg4[%swap3A_23, %swap3A_24, %swap3A_25], %swap3A_28 {strides = array<i32>} : memref<4x32x256xf32, #tpu.memory_space<vmem>>, vector<1x32x256xf32>,
    %slice3A_29 = vector.extract_strided_slice %add3A_9 {offsets = [0, 768], sizes = [32, 256], strides = [1, 1]} : vector<32x1024xf32> to vector<32x256xf32>
    %swap3A_30 = arith.constant 3 : index
    %swap3A_31 = arith.constant 0 : index
    %swap3A_32 = arith.constant 0 : index
    %swap3A_33 = vector.load %arg4[%swap3A_30, %swap3A_31, %swap3A_32] : memref<4x32x256xf32, #tpu.memory_space<vmem>>, vector<1x32x256xf32>
    %swap3A_34 = vector.shape_cast %swap3A_33 : vector<1x32x256xf32> to vector<32x256xf32>
    %swap3A_35 = vector.shape_cast %slice3A_29 : vector<32x256xf32> to vector<1x32x256xf32>
    tpu.vector_store %arg4[%swap3A_30, %swap3A_31, %swap3A_32], %swap3A_35 {strides = array<i32>} : memref<4x32x256xf32, #tpu.memory_space<vmem>>, vector<1x32x256xf32>,
    return
  }
  func.func @transform_0(%arg0: i32) -> (i32, i32) {
    %c0_i32 = arith.constant 0 : i32
    %c0_i32_0 = arith.constant 0 : i32
    return %arg0, %c0_i32 : i32, i32
  }
  func.func @transform_1(%arg0: i32) -> (i32, i32) {
    %c0_i32 = arith.constant 0 : i32
    %c0_i32_0 = arith.constant 0 : i32
    %c0_i32_1 = arith.constant 0 : i32
    return %c0_i32, %c0_i32_0 : i32, i32
  }
  func.func @transform_2(%arg0: i32) -> (i32, i32) {
    %c0_i32 = arith.constant 0 : i32
    %c0_i32_0 = arith.constant 0 : i32
    %c0_i32_1 = arith.constant 0 : i32
    return %c0_i32, %c0_i32_0 : i32, i32
  }
  func.func @transform_3(%arg0: i32) -> (i32, i32, i32) {
    %c0_i32 = arith.constant 0 : i32
    %c0_i32_0 = arith.constant 0 : i32
    %c0_i32_1 = arith.constant 0 : i32
    return %arg0, %c0_i32, %c0_i32_0 : i32, i32, i32
  }
}

</mosaic_0001>

<sc_bundles>
// kernel: kernel.4.cloned.1.call-start
scs
__scs_entry_jumppad:
0x0: {  	(pc) =	sbr.rel $0x88, $3  }
0x1: {  	(tag) =	ssettag $0x0;
	lr =	simm.s32 $0x1  }
0x2: {  	[smem:$0x3F9C] =	sst lr;
	_ =	strace $0xD0000000  }
0x3: {  	_ = 	snop  }
0x4: {  	_ = 	snop  }
0x5: {  	_ = 	snop  }
0x6: {  	_ = 	snop  }
0x7: {  	_ = 	snop  }
__scs_overlays_trampoline_lowered:
0x8: {  	[smem:$0x3FAB] =	sst s0  }
0x9: {  	[smem:$0x3FAC] =	sst s1  }
0xa: {  	[smem:$0x3FAD] =	sst s2  }
0xb: {  	[smem:$0x3FAE] =	sst s3  }
0xc: {  	[smem:$0x3FAF] =	sst s4  }
0xd: {  	[smem:$0x3FB0] =	sst s5  }
0xe: {  	[smem:$0x3FB1] =	sst s6  }
0xf: {  	[smem:$0x3FB2] =	sst s7  }
0x10: {  	[smem:$0x3FB3] =	sst s8  }
0x11: {  	[smem:$0x3FB4] =	sst s9;
	s0 =	simm.s32 @!p0 $0x0  }
0x12: {  	s1 =	sld [smem:$0x3F9A];
	s0 =	simm.s32 @p0 $0x1  }
0x13: {  	[smem:$0x3FB5] =	sst s0;
	s0 =	simm.s32 @!p1 $0x0  }
0x14: {  	s2 =	sld [smem:$0x3F99];
	s0 =	simm.s32 @p1 $0x1  }
0x15: {  	[smem:$0x3FB6] =	sst s0;
	s0 =	simm.s32 @!p2 $0x0  }
0x16: {  	s3 =	sld [smem:$0x3FDB];
	s0 =	simm.s32 @p2 $0x1  }
0x17: {  	s4 =	simm.s32 $0x1BF5;
	[smem:$0x3FB8] =	sst s0  }
0x18: {  	s0 =	sld [smem:$0x3F9B];
	_ =	swait.ge [sflag:s4], $0x0  }
0x19: {  	s7 =	sld [smem:$0x3F9C]  }
0x1a: {  	s8 =	sadd.s32 $0xFFFFE003, lr  }
0x1b: {  	s9 =	sadd.s32 $0xFFFFFEF7, lr;
	s5 =	simm.s32 $0xFFFFFFFF;
	p2 =	slt.u32 s8, $0xFFFFF086  }
0x1c: {  	p1 =	slt.u32 s9, $0xF7A;
	s5 =	simm.s32 @!p2 $0x0  }
0x1d: {  	s5 =	simm.s32 @p1 $0x1;
	p0 =	seq.s32 s7, s2  }
0x1e: {  	s7 =	smul.u32 @!p0 $0xF7A, s2;
	p2 =	seq.s32 @!p0 s5, $0x0  }
0x1f: {  	s9 =	smul.u32 $0xF7A, s1;
	s8 =	simm.s32 @!p0 $0x1BF5;
	p2 =	por !p2, p0  }
0x20: {  	[sflag:s8] =	ssyncset.s32 @!p0 $0xFFFFF086;
	s6 =	sadd.s32 @!p0 s3, s7;
	s7 =	simm.s32 @!p0 $0x108  }
0x21: {  	s3 =	sadd.s32 s3, s9;
	s6 =	sadd.s32 @!p0 $0x88, s6;
	s7 =	simm.s32 @p2 $0x1082  }
0x22: {  	[simem:s7], [sflag:s8] =	dma.local @!p0 [hbm:s6], $0xF7A  }
0x23: {  	s9 =	sor.u32 $0xD0000000, s2;
	s6 =	simm.s32 $0x108;
	_ =	swait.ge @!p0 [sflag:s8], $0x0  }
0x24: {  	s3 =	sadd.s32 $0x88, s3;
	s6 =	simm.s32 @!p1 $0x1082;
	[sflag:s4] =	ssyncset.s32 $0xFFFFF086  }
0x25: {  	[simem:s6], [sflag:s4] =	dma.local [hbm:s3], $0xF7A  }
0x26: {  	[smem:$0x3F9C] =	sst s1;
	(tag) =	ssettag s2;
	_ =	strace s9  }
0x27: {  	s1 =	sld [smem:$0x3FAC]  }
0x28: {  	s2 =	sld [smem:$0x3FAD]  }
0x29: {  	s4 =	sld [smem:$0x3FAF]  }
0x2a: {  	p0 =	seq.s32 s5, $0x0;
	s5 =	sld [smem:$0x3FB0]  }
0x2b: {  	s6 =	sld [smem:$0x3FB1]  }
0x2c: {  	s7 =	sld [smem:$0x3FB2]  }
0x2d: {  	s3 =	simm.s32 $0x108;
	s8 =	sld [smem:$0x3FB3]  }
0x2e: {  	s3 =	simm.s32 @!p0 $0x1082;
	s9 =	sld [smem:$0x3FB4]  }
0x2f: {  	lr =	sadd.s32 s0, s3;
	s0 =	sld [smem:$0x3FAB]  }
0x30: {  	s3 =	sld [smem:$0x3FAE]  }
0x31: {  	[smem:$0x3FB7] =	sst s10  }
0x32: {  	s10 =	sld [smem:$0x3FB5];
	_ =	sdelay $0x3  }
0x33: {  	p0 =	seq.s32 s10, $0x1;
	s10 =	sld [smem:$0x3FB7];
	_ =	sdelay $0x3  }
0x34: {  	[smem:$0x3FB7] =	sst s10  }
0x35: {  	s10 =	sld [smem:$0x3FB6];
	_ =	sdelay $0x3  }
0x36: {  	p1 =	seq.s32 s10, $0x1;
	s10 =	sld [smem:$0x3FB7];
	_ =	sdelay $0x3  }
0x37: {  	[smem:$0x3FB7] =	sst s10  }
0x38: {  	s10 =	sld [smem:$0x3FB8]  }
0x39: {  	_ = 	snop;
	(pc) =	sbr.ind lr, $3  }
0x3a: {  	_ = 	snop  }
0x3b: {  	_ = 	snop  }
0x3c: {  	p2 =	seq.s32 s10, $0x1;
	s10 =	sld [smem:$0x3FB7]  }
0x3d: {  	_ =	shalt  }
0x3e: {  	_ =	shalt  }
0x3f: {  	_ =	shalt  }
0x40: {  	_ =	shalt  }
0x41: {  	_ =	shalt  }
0x42: {  	_ =	shalt  }
0x43: {  	_ =	shalt  }
0x44: {  	_ =	shalt  }
0x45: {  	_ =	shalt  }
0x46: {  	_ =	shalt  }
0x47: {  	_ =	shalt  }
0x48: {  	_ =	shalt  }
0x49: {  	_ =	shalt  }
0x4a: {  	_ =	shalt  }
0x4b: {  	_ =	shalt  }
0x4c: {  	_ =	shalt  }
0x4d: {  	_ =	shalt  }
0x4e: {  	_ =	shalt  }
0x4f: {  	_ =	shalt  }
0x50: {  	_ =	shalt  }
0x51: {  	_ =	shalt  }
0x52: {  	_ =	shalt  }
0x53: {  	_ =	shalt  }
0x54: {  	_ =	shalt  }
0x55: {  	_ =	shalt  }
0x56: {  	_ =	shalt  }
0x57: {  	_ =	shalt  }
0x58: {  	_ =	shalt  }
0x59: {  	_ =	shalt  }
0x5a: {  	_ =	shalt  }
0x5b: {  	_ =	shalt  }
0x5c: {  	_ =	shalt  }
0x5d: {  	_ =	shalt  }
0x5e: {  	_ =	shalt  }
0x5f: {  	_ =	shalt  }
0x60: {  	_ =	shalt  }
0x61: {  	_ =	shalt  }
0x62: {  	_ =	shalt  }
0x63: {  	_ =	shalt  }
0x64: {  	_ =	shalt  }
0x65: {  	_ =	shalt  }
0x66: {  	_ =	shalt  }
0x67: {  	_ =	shalt  }
0x68: {  	_ =	shalt  }
0x69: {  	_ =	shalt  }
0x6a: {  	_ =	shalt  }
0x6b: {  	_ =	shalt  }
0x6c: {  	_ =	shalt  }
0x6d: {  	_ =	shalt  }
0x6e: {  	_ =	shalt  }
0x6f: {  	_ =	shalt  }
0x70: {  	_ =	shalt  }
0x71: {  	_ =	shalt  }
0x72: {  	_ =	shalt  }
0x73: {  	_ =	shalt  }
0x74: {  	_ =	shalt  }
0x75: {  	_ =	shalt  }
0x76: {  	_ =	shalt  }
0x77: {  	_ =	shalt  }
0x78: {  	_ =	shalt  }
0x79: {  	_ =	shalt  }
0x7a: {  	_ =	shalt  }
0x7b: {  	_ =	shalt  }
0x7c: {  	_ =	shalt  }
0x7d: {  	_ =	shalt  }
0x7e: {  	_ =	shalt  }
0x7f: {  	_ =	shalt  }
0x80: {  	_ =	shalt  }
0x81: {  	_ =	shalt  }
0x82: {  	_ =	shalt  }
0x83: {  	_ =	shalt  }
0x84: {  	_ =	shalt  }
0x85: {  	_ =	shalt  }
0x86: {  	_ =	shalt  }
0x87: {  	_ =	shalt  }
.Lfunc_end0:
.L_simem_size_0:
called_computation_lowered:
.L_overlay_start_0:
0x88: {  	s2 =	sld [smem:$0x3FD9]  }
0x89: {  	s3 =	sld [smem:$0x3FFE];
	_ =	sdelay $0x1  }
0x8a: {  	s1 =	srdreg.scid  }
0x8b: {  	s0 =	sand.u32 $0x1, s1  }
0x8c: {  	s17 =	sshll.u32 s0, $0xA;
	s2 =	sadd.s32 s3, s2  }
0x8d: {  	s2 =	sadd.s32 s2, s17  }
0x8e: {  	[smem:$0x3FC3] =	sst s2  }
0x8f: {  	_ = 	snop  }
0x90: {  	s2 =	sld [smem:$0x3FD0];
	(tm) =	ssettm $0x1  }
0x91: {  	s18 =	sld [smem:$0x3FFB];
	_ =	sdelay $0x3  }
0x92: {  	_ =	strace s18  }
0x93: {  	s3 =	sld [smem:$0x3FFC];
	_ =	sdelay $0x3  }
0x94: {  	_ =	strace s3  }
0x95: {  	s3 =	sld [smem:$0x3FFD];
	_ =	sdelay $0x3  }
0x96: {  	_ =	strace s3  }
0x97: {  	_ =	strace $0x8FFFFFFF  }
0x98: {  	s19 =	sld [smem:$0x3FDB];
	_ =	sdelay $0x1  }
0x99: {  	s4 =	simm.s32 $_scs_section_size  }
0x9a: {  	s5 =	simm.s32 $_size__tile_overlayer_lowered;
	s6 =	simm.s32 $_tile_overlayer_lowered  }
0x9b: {  	s22 =	simm.s32 $0x1BFF;
	s21 =	sshll.u32 s6, $0x1;
	s3 =	sadd.s32 s4, s19  }
0x9c: {  	s7 =	simm.s32 $0x0;
	s20 =	sshll.u32 s5, $0x1;
	s5 =	sadd.s32 s21, s3  }
0x9d: {  	[timem:s7], [sflag:s22] =	dma.local [hbm:s5], s20  }
0x9e: {  	_ =	swait.ge [sflag:s22], s20  }
0x9f: {  	s4 =	ssub.s32 $0x0, s20;
	[sflag:s22] =	ssyncset.done $0x0  }
0xa0: {  	[sflag:s22] =	ssyncadd.s32 s4;
	_ =	sdelay $0x1  }
0xa1: {  	s23 =	simm.s32 $0x1B8B  }
0xa2: {  	_ =	swait.ge [sflag:s23], $0x1  }
0xa3: {  	[sflag:s23] =	ssyncset.done $0x0  }
0xa4: {  	s25 =	simm.s32 $0x1B8E;
	s24 =	sld [smem:$0x3FFE];
	[sflag:s23] =	ssyncadd.s32 $0xFFFFFFFF  }
0xa5: {  	s26 =	simm.s32 $execute0_lowered;
	[smem:$0x3FD2] =	sst s25  }
0xa6: {  	s5 =	sshll.u32 s26, $0x1;
	_ =	strace $0x80000046;
	[dreg:$0x1] =	wrdreg $0xFFFFFFFF  }
0xa7: {  	s28 =	simm.s32 $_size_execute0_lowered;
	s3 =	sadd.s32 s3, s5;
	[dreg:$0x0] =	wrdreg $0x0  }
0xa8: {  	s5 =	sshll.u32 s28, $0x1;
	[dreg:$0x2] =	wrdreg s3  }
0xa9: {  	[dreg:$0x3] =	wrdreg s5  }
0xaa: {  	[dreg:$0x4] =	wrdreg $0xC0  }
0xab: {  	_ =	task [dreg:s7], $0x5FFFF  }
0xac: {  	[dreg:$0x1] =	wrdreg $0xFFFFFFFF  }
0xad: {  	[dreg:$0x0] =	wrdreg $0x60  }
0xae: {  	[dreg:$0x2] =	wrdreg s24  }
0xaf: {  	[dreg:$0x3] =	wrdreg s2  }
0xb0: {  	[dreg:$0x4] =	wrdreg $0x9  }
0xb1: {  	_ =	task.clear_ibuf [dreg:s7], $0x5FFFF;
	_ =	strace $0x90000046  }
0xb2: {  	s29 =	simm.s32 $0x9;
	_ =	strace $0x80000048  }
0xb3: {  	_ =	swait.ge [sflag:s29], $0x1  }
0xb4: {  	[sflag:s29] =	ssyncadd.s32 $0xFFFFFFFF  }
0xb5: {  	_ =	strace $0x90000048  }
0xb6: {  	_ =	sfence  }
0xb7: {  	s30 =	sld [smem:$0x0];
	_ =	sdelay $0x2  }
0xb8: {  	s31 =	sshll.u32 s1, $0xD;
	s1 =	sshrl.u32 s1, $0x2  }
0xb9: {  	s3 =	sand.u32 $0x4000, s31;
	s1 =	sadd.s32 s1, s30  }
0xba: {  	s0 =	sor.u32 s3, s0;
	s1 =	sshll.u32 s1, $0x11  }
0xbb: {  	s0 =	sor.u32 s1, s0  }
0xbc: {  	s0 =	sadd.s32 $0x8F2B, s0  }
0xbd: {  	[sflag:s0] =	ssyncadd.remote.s32 $0x1  }
0xbe: {  	_ =	sfence.sel $0xFFFF  }
0xbf: {  	[dreg:$0x0] =	wrdreg $0xFFFFFFFF;
	(pc) =	sbr.abs _section_cstart, $3  }
0xc0: {  	[dreg:$0x1] =	wrdreg $0xFFFFFFFF  }
0xc1: {  	_ =	task.clear_ibuf [dreg:s7], $0x2FFFF;
	_ =	strace $0x9FFFFFFF  }
0xc2: {  	(tm) =	ssettm $0x7FFFFFFF  }
0xc3: {  	_ =	shalt  }
tec
execute0_lowered:
.L_overlay_start_1:
0x0: {  	(tag) =	ssettag $0x1  }
0x1: {  	s3 =	rddreg [dreg:$0x0]  }
0x2: {  	s4 =	rddreg [dreg:$0x1]  }
0x3: {  	s0 =	rddreg [dreg:$0x2]  }
0x4: {  	s5 =	srdreg.scid;
	s1 =	stileid.u32  }
0x5: {  	s2 =	simm.s32 $0x0;
	s5 =	sand.u32 $0x1, s5;
	s6 =	sshll.u32 s1, $0x1  }
0x6: {  	[smem:$0x7FF] =	sst s2;
	s6 =	sor.u32 s5, s6;
	s5 =	ssub.s32 $0x2, s5  }
0x7: {  	_ =	strace $0x80000047;
	s7 =	sshll.u32 s6, $0xA;
	s8 =	sshrl.u32 s5, $0x1  }
0x8: {  	s6 =	sshll.u32 s6, $0x5;
	s3 =	sadd.s32 s7, s3;
	s5 =	ssub.s32 s5, s8  }
0x9: {  	s4 =	sadd.s32 s4, s6;
	s6 =	simm.s32 $0x1;
	s7 =	simm.s32 $0x2000  }
0xa: {  	v0 =	vimm.s32 $0x0;
	s8 =	simm.s32 $0x0;
	s3 =	sadd.s32 $0x600, s3;
	s5 =	smax.u32 s5, $0x1  }
.LBB2_1:
0xb: {  	[tilespmem:s2], [sflag:$0x1] =	stream.linear.gather [hbm4b:s3+s2], $0x2000, $0x38;
	[tilespmem:$0x2100] =	vst v63  }
0xc: {  	_ =	swait.ge [sflag:s6], $0x2000  }
0xd: {  	s9 =	sand.u32 $0x70, s2;
	s10 =	sand.u32 $0x400, s2;
	[sflag:s6] =	ssyncset.done $0x0  }
0xe: {  	s9 =	sor.u32 s9, s10;
	[sflag:s6] =	ssyncadd.s32 $0xFFFFE000  }
0xf: {  	v2 =	vld [tilespmem:s9+$0x80]  }
0x10: {  	v1 =	vld [tilespmem:s9+$0x0]  }
0x11: {  	v3 =	vld [tilespmem:s9+$0x1000]  }
0x12: {  	v10 =	vld [tilespmem:s9+$0x1100]  }
0x13: {  	v4 =	vld [tilespmem:s9+$0x100]  }
0x14: {  	vm0 =	vlt.f32 v2, $-Inf;
	vm1 =	vgt.f32 v2, $-Inf  }
0x15: {  	vm2 =	vgt.f32 v2, v1;
	vm0 =	vmor vm1, vm0  }
0x16: {  	v5 =	vld [tilespmem:s9+$0x180];
	v3 =	vsub.f32 $0.0e+00, v3;
	vm1 =	vmneg vm2;
	v6 =	vnsel vm0, $0xFF800000, v2  }
0x17: {  	v10 =	vsub.f32 $0.0e+00, v10;
	v8 =	vsel vm2, $0x1, v0;
	v6 =	vsel vm1, v6, v1  }
0x18: {  	vm0 =	vmand vm1, vm0;
	v1 =	vsel vm1, v1, v2;
	vm1 =	vgt.f32 v4, v6  }
0x19: {  	v2 =	vld [tilespmem:s9+$0x200];
	v7 =	vsel vm0, $0x1, v0;
	vm0 =	vgt.f32 v4, v1;
	v6 =	vsel vm1, v4, v6  }
0x1a: {  	v3 =	vmul.f32 $1.442695020e+00, v3;
	v7 =	vsel vm1, $0x2, v7;
	v6 =	vsel vm0, v1, v6  }
0x1b: {  	v7 =	vsel vm0, v8, v7;
	v1 =	vsel vm0, v4, v1;
	vm1 =	vgt.f32 v5, v6  }
0x1c: {  	v4 =	vld [tilespmem:s9+$0x280];
	v8 =	vsel vm0, $0x2, v8;
	vm0 =	vgt.f32 v5, v1;
	v6 =	vsel vm1, v5, v6  }
0x1d: {  	v7 =	vsel vm1, $0x3, v7;
	v6 =	vsel vm0, v1, v6;
	v1 =	vsel vm0, v5, v1  }
0x1e: {  	v5 =	vsel vm0, $0x3, v8;
	v7 =	vsel vm0, v8, v7;
	v8 =	vld [tilespmem:s9+$0x1080];
	vm0 =	vgt.f32 v2, v6  }
0x1f: {  	v9 =	vld [tilespmem:s9+$0x300];
	vm1 =	vgt.f32 v2, v1;
	v6 =	vsel vm0, v2, v6;
	v7 =	vsel vm0, $0x4, v7  }
0x20: {  	(erf) = vpow2.f32 v3;
	v3 =	vsel vm1, v1, v6;
	v6 =	vsel vm1, v5, v7  }
0x21: {  	v1 =	vsel vm1, v2, v1;
	v2 =	vsel vm1, $0x4, v5;
	vm0 =	vgt.f32 v4, v3  }
0x22: {  	v7 =	vld [tilespmem:s9+$0x380];
	vm1 =	vgt.f32 v4, v1;
	v3 =	vsel vm0, v4, v3;
	v5 =	vsel vm0, $0x5, v6  }
0x23: {  	v6 =	vld [tilespmem:s9+$0x1280];
	v8 =	vsub.f32 $0.0e+00, v8;
	v3 =	vsel vm1, v1, v3;
	v5 =	vsel vm1, v2, v5  }
0x24: {  	v1 =	vsel vm1, v4, v1;
	v2 =	vsel vm1, $0x5, v2;
	vm0 =	vgt.f32 v9, v3  }
0x25: {  	vm1 =	vgt.f32 v9, v1;
	v4 =	vmul.f32 $1.442695020e+00, v8;
	v3 =	vsel vm0, v9, v3  }
0x26: {  	v10 =	vmul.f32 $1.442695020e+00, v10;
	v8 =	vld [tilespmem:s9+$0x800];
	v5 =	vsel vm0, $0x6, v5;
	v3 =	vsel vm1, v1, v3  }
0x27: {  	v1 =	vsel vm1, v9, v1;
	v5 =	vsel vm1, v2, v5;
	(erf) = vpow2.f32 v4  }
0x28: {  	v2 =	vsel vm1, $0x6, v2;
	v6 =	vsub.f32 $0.0e+00, v6;
	vm1 =	vgt.f32 v7, v3  }
0x29: {  	v4 =	vld [tilespmem:s9+$0x880];
	vm0 =	vgt.f32 v7, v1;
	v3 =	vsel vm1, v7, v3;
	v5 =	vsel vm1, $0x7, v5  }
0x2a: {  	v6 =	vmul.f32 $1.442695020e+00, v6;
	v3 =	vsel vm0, v1, v3;
	v1 =	vsel vm0, v7, v1  }
0x2b: {  	v9 =	vld [tilespmem:s9+$0x900];
	v7 =	vsel vm0, $0x7, v2;
	v2 =	vsel vm0, v2, v5;
	vm2 =	vgt.f32 v8, v3  }
0x2c: {  	vm1 =	vgt.f32 v8, v1;
	(erf) = vpow2.f32 v6;
	v3 =	vsel vm2, v8, v3  }
0x2d: {  	v6 =	vsel vm1, v8, v1;
	v8 =	vsel vm1, $0x8, v7;
	v1 =	vsel vm1, v1, v3  }
0x2e: {  	v2 =	vsel vm2, $0x8, v2;
	vm0 =	vgt.f32 v4, v6;
	vm2 =	vgt.f32 v4, v1  }
0x2f: {  	v11 =	vld [tilespmem:s9+$0x980];
	v2 =	vsel vm1, v7, v2;
	v5 =	vsel vm0, v4, v6;
	v3 =	vpop (erf);
	v1 =	vsel vm2, v4, v1  }
0x30: {  	v2 =	vsel vm2, $0x9, v2;
	vm1 =	vgt.f32 v9, v5;
	v3 =	vadd.f32 $1.000000000e+00, v3  }
0x31: {  	v1 =	vsel vm0, v6, v1;
	v6 =	vsel vm0, $0x9, v8;
	v2 =	vsel vm0, v8, v2  }
0x32: {  	v4 =	vpop (erf);
	v8 =	vsel vm1, v9, v5;
	vm2 =	vgt.f32 v9, v1;
	(erf) = vrcp.f32 v3;
	v3 =	vld [tilespmem:s9+$0xA00]  }
0x33: {  	v4 =	vadd.f32 $1.000000000e+00, v4;
	v7 =	vsel vm1, $0xA, v6;
	v1 =	vsel vm2, v9, v1;
	v9 =	vld [tilespmem:s9+$0x1200]  }
0x34: {  	v2 =	vsel vm2, $0xA, v2;
	vm2 =	vgt.f32 v11, v8;
	v1 =	vsel vm1, v5, v1  }
0x35: {  	v13 =	vld [tilespmem:s9+$0x1180];
	v15 =	vsel vm2, $0xB, v7;
	(erf) = vrcp.f32 v4;
	vm3 =	vgt.f32 v11, v1  }
0x36: {  	v12 =	vld [tilespmem:s9+$0xA80];
	v2 =	vsel vm1, v6, v2;
	v5 =	vpop (erf);
	v1 =	vsel vm3, v11, v1;
	v11 =	vsel vm2, v11, v8  }
0x37: {  	v2 =	vsel vm3, $0xB, v2;
	v5 =	vadd.f32 $1.000000000e+00, v5;
	v1 =	vsel vm2, v8, v1  }
0x38: {  	v14 =	vld [tilespmem:s9+$0xB00];
	v2 =	vsel vm2, v7, v2;
	vm4 =	vgt.f32 v3, v11;
	v8 =	vsub.f32 $0.0e+00, v9  }
0x39: {  	v56 =	vld [tilespmem:s9+$0x1800];
	vm5 =	vgt.f32 v3, v1;
	v4 =	vsel vm4, v3, v11;
	(erf) = vrcp.f32 v5  }
0x3a: {  	v6 =	vld [tilespmem:s9+$0xB80];
	v1 =	vsel vm5, v3, v1;
	v5 =	vsub.f32 $0.0e+00, v13;
	v9 =	vsel vm4, $0xC, v15  }
0x3b: {  	vm6 =	vgt.f32 v12, v4;
	v1 =	vsel vm4, v11, v1;
	(erf) = vpow2.f32 v10  }
0x3c: {  	v11 =	vld [tilespmem:s9+$0x1300];
	v8 =	vmul.f32 $1.442695020e+00, v8;
	v3 =	vsel vm6, v12, v4;
	vm7 =	vgt.f32 v12, v1  }
0x3d: {  	v55 =	vsel vm6, $0xD, v9;
	vm0 =	vgt.f32 v14, v3;
	v1 =	vsel vm7, v12, v1  }
0x3e: {  	v7 =	vld [tilespmem:s9+$0x1380];
	v12 =	vsub.f32 $0.0e+00, v56;
	v16 =	vsel vm0, v14, v3;
	v4 =	vsel vm6, v4, v1  }
0x3f: {  	v1 =	vsel vm5, $0xC, v2;
	v2 =	vmul.f32 $1.442695020e+00, v5;
	vm1 =	vgt.f32 v6, v16  }
0x40: {  	v1 =	vsel vm4, v15, v1;
	vm2 =	vgt.f32 v14, v4;
	v12 =	vmul.f32 $1.442695020e+00, v12  }
0x41: {  	v10 =	vsel vm1, v6, v16;
	v5 =	vsub.f32 $0.0e+00, v11;
	v1 =	vsel vm7, $0xD, v1  }
0x42: {  	v11 =	vsel vm0, $0xE, v55;
	(erf) = vpow2.f32 v2;
	v2 =	vsel vm2, v14, v4  }
0x43: {  	v4 =	vsub.f32 $0.0e+00, v7;
	v9 =	vsel vm6, v9, v1;
	v1 =	vsel vm1, $0xF, v11  }
0x44: {  	v7 =	vld [tilespmem:s9+$0x1880];
	(erf) = vpow2.f32 v8;
	v2 =	vsel vm0, v3, v2;
	v3 =	vsel vm2, $0xE, v9  }
0x45: {  	v57 =	vpop (erf);
	vm3 =	veq.s32 v1, $0x0;
	v5 =	vmul.f32 $1.442695020e+00, v5;
	vm2 =	veq.s32 v1, $0x1  }
0x46: {  	v8 =	vpop (erf);
	v4 =	vmul.f32 $1.442695020e+00, v4;
	v9 =	vsel vm0, v55, v3;
	vm0 =	vgt.f32 v6, v2  }
0x47: {  	v60 =	vld [tilespmem:s9+$0x1980];
	v58 =	vnsel vm3, $0x0, v57;
	v6 =	vsel vm0, v6, v2;
	v2 =	vsel vm0, $0xF, v9;
	v3 =	vpop (erf)  }
0x48: {  	v9 =	vld [tilespmem:s9+$0x1900];
	v14 =	vsel vm2, v8, v58;
	(erf) = vpow2.f32 v5;
	v2 =	vsel vm1, v11, v2;
	v59 =	vpop (erf)  }
0x49: {  	v7 =	vsub.f32 $0.0e+00, v7;
	vm0 =	veq.s32 v2, $0x0;
	v11 =	vadd.f32 $1.000000000e+00, v59  }
0x4a: {  	v6 =	vsel vm1, v16, v6;
	vm2 =	veq.s32 v2, $0x1;
	v5 =	vnsel vm0, $0x0, v57  }
0x4b: {  	v61 =	vld [tilespmem:s9+$0x1A00];
	v7 =	vmul.f32 $1.442695020e+00, v7;
	v5 =	vsel vm2, v8, v5;
	v8 =	vpop (erf);
	(erf) = vpow2.f32 v4  }
0x4c: {  	v6 =	vsub.f32 v6, v10;
	v4 =	vadd.f32 $1.000000000e+00, v8;
	(erf) = vrcp.f32 v11  }
0x4d: {  	v62 =	vld [tilespmem:s9+$0x1B00];
	v10 =	vsub.f32 $0.0e+00, v60;
	v9 =	vsub.f32 $0.0e+00, v9;
	v11 =	vpop (erf);
	(erf) = vpow2.f32 v7  }
0x4e: {  	v8 =	vld [tilespmem:s9+$0x1A80];
	v7 =	vadd.f32 $1.000000000e+00, v11;
	(erf) = vrcp.f32 v4  }
0x4f: {  	v9 =	vmul.f32 $1.442695020e+00, v9;
	(erf) = vpow2.f32 v12  }
0x50: {  	v4 =	vmul.f32 $1.442695020e+00, v6;
	v6 =	vsub.f32 $0.0e+00, v61;
	(erf) = vrcp.f32 v7  }
0x51: {  	v7 =	vmul.f32 $1.442695020e+00, v10;
	v10 =	vpop (erf);
	(erf) = vpow2.f32 v9  }
0x52: {  	v11 =	vld [tilespmem:s9+$0x1B80];
	v9 =	vadd.f32 $1.000000000e+00, v10;
	v10 =	vmul.f32 $1.442695020e+00, v6;
	v6 =	vsub.f32 $0.0e+00, v62  }
0x53: {  	v8 =	vsub.f32 $0.0e+00, v8  }
0x54: {  	vm1 =	veq.s32 v1, $0x6  }
0x55: {  	vm0 =	veq.s32 v2, $0x2;
	(erf) = vpow2.f32 v7;
	v8 =	vmul.f32 $1.442695020e+00, v8  }
0x56: {  	vm2 =	veq.s32 v1, $0x2;
	v63 =	vmul.f32 $1.442695020e+00, v6;
	(erf) = vrcp.f32 v9;
	v6 =	vpop (erf)  }
0x57: {  	s11 =	simm.s32 $0x0;
	v11 =	vsub.f32 $0.0e+00, v11;
	(erf) = vpow2.f32 v10;
	v6 =	vadd.f32 $1.000000000e+00, v6;
	v9 =	vpop (erf)  }
0x58: {  	s12 =	simm.s32 $0x2000;
	s10 =	simm.s32 $0x10;
	s9 =	simm.s32 $0x2000;
	(erf) = vpow2.f32 v63;
	v7 =	vsel vm2, v9, v14;
	vm2 =	veq.s32 v2, $0x3;
	v10 =	vpop (erf)  }
.LBB2_2:
0x59: {  	p0 =	sne.s32 s10, $0xF0;
	vm3 =	veq.s32 v1, $0x4;
	v11 =	vmul.f32 $1.442695020e+00, v11;
	s11 =	sadd.s32 $0x80, s11;
	s12 =	sadd.s32 $0x10, s12;
	v12 =	vpop (erf);
	(erf) = vpow2.f32 v8  }
0x5a: {  	v5 =	vsel vm0, v9, v5;
	vm0 =	veq.s32 v1, $0x3;
	v13 =	vadd.f32 $1.000000000e+00, v10;
	s13 =	smov.u32 s10;
	s10 =	sadd.s32 $0x10, s10;
	v9 =	vpop (erf)  }
0x5b: {  	v5 =	vsel vm2, v12, v5;
	vm2 =	veq.s32 v2, $0x4;
	v10 =	vpop (erf);
	(erf) = vpow2.f32 v11  }
0x5c: {  	v14 =	vadd.f32 $1.000000000e+00, v9;
	v5 =	vsel vm2, v10, v5;
	(erf) = vrcp.f32 v13;
	v8 =	vpop (erf)  }
0x5d: {  	v11 =	vsel vm0, v12, v7;
	v8 =	vadd.f32 $1.000000000e+00, v8;
	(erf) = vrcp.f32 v6  }
0x5e: {  	vm0 =	veq.s32 v1, $0x5;
	v12 =	vsel vm3, v10, v11;
	(erf) = vrcp.f32 v14;
	v7 =	vpop (erf)  }
0x5f: {  	v10 =	vsel vm0, v3, v12;
	v11 =	vadd.f32 $1.000000000e+00, v7;
	v9 =	vpop (erf);
	(erf) = vpow2.f32 v4  }
0x60: {  	v4 =	vsel vm1, v9, v10;
	vm1 =	veq.s32 v2, $0x8;
	(erf) = vrcp.f32 v8;
	v6 =	vpop (erf)  }
0x61: {  	vm3 =	veq.s32 v2, $0x6;
	vm0 =	veq.s32 v1, $0xA;
	v10 =	vadd.f32 $1.000000000e+00, v6;
	v8 =	vpop (erf)  }
0x62: {  	vm2 =	veq.s32 v1, $0x9;
	v8 =	vadd.f32 $1.000000000e+00, v8;
	(erf) = vrcp.f32 v11;
	v7 =	vpop (erf)  }
0x63: {  	vm4 =	veq.s32 v1, $0x8;
	v11 =	vadd.f32 $1.000000000e+00, v7;
	(erf) = vrcp.f32 v10  }
0x64: {  	vm5 =	veq.s32 v2, $0x5;
	vm6 =	veq.s32 v1, $0x7;
	(erf) = vrcp.f32 v8;
	v6 =	vpop (erf)  }
0x65: {  	v3 =	vsel vm5, v3, v5;
	v8 =	vadd.f32 $1.000000000e+00, v6;
	v6 =	vpop (erf);
	(erf) = vrcp.f32 v11  }
0x66: {  	vm5 =	veq.s32 v2, $0xA;
	v3 =	vsel vm3, v9, v3;
	vm3 =	veq.s32 v2, $0x7;
	v7 =	vpop (erf)  }
0x67: {  	v4 =	vsel vm6, v7, v4;
	v3 =	vsel vm3, v7, v3;
	v7 =	vpop (erf);
	(erf) = vrcp.f32 v8  }
0x68: {  	v4 =	vsel vm4, v7, v4;
	v3 =	vsel vm1, v7, v3;
	vm1 =	veq.s32 v2, $0x9;
	v5 =	vpop (erf)  }
0x69: {  	v4 =	vsel vm2, v6, v4;
	v3 =	vsel vm1, v6, v3;
	v6 =	vadd.f32 $1.000000000e+00, v5;
	v7 =	vpop (erf)  }
0x6a: {  	v4 =	vsel vm0, v7, v4;
	v3 =	vsel vm5, v7, v3  }
0x6b: {  	vm1 =	veq.s32 v2, $0xB;
	vm2 =	veq.s32 v1, $0xE;
	vm0 =	veq.s32 v1, $0xB;
	v7 =	vpop (erf)  }
0x6c: {  	v3 =	vsel vm1, v7, v3;
	vm1 =	veq.s32 v2, $0xC;
	v8 =	vpop (erf);
	(erf) = vrcp.f32 v6  }
0x6d: {  	v4 =	vsel vm0, v7, v4;
	vm0 =	veq.s32 v1, $0xC;
	v3 =	vsel vm1, v8, v3;
	v6 =	vpop (erf)  }
0x6e: {  	v4 =	vsel vm0, v8, v4;
	vm0 =	veq.s32 v1, $0xD;
	vm1 =	veq.s32 v2, $0xD;
	v7 =	vpop (erf)  }
0x6f: {  	v4 =	vsel vm0, v7, v4;
	v3 =	vsel vm1, v7, v3;
	vm0 =	veq.s32 v2, $0xE  }
0x70: {  	v4 =	vsel vm2, v6, v4;
	v3 =	vsel vm0, v6, v3;
	vm0 =	veq.s32 v2, $0xF;
	v2 =	vpop (erf)  }
0x71: {  	v3 =	vsel vm0, v2, v3  }
0x72: {  	vm0 =	veq.s32 v1, $0xF;
	v1 =	vmul.f32 v3, v5  }
0x73: {  	v3 =	vsel vm0, v2, v4  }
0x74: {  	s13 =	sand.u32 $0x70, s13;
	s14 =	sand.u32 $0x400, s11;
	v1 =	vadd.f32 v1, v3  }
0x75: {  	s13 =	sor.u32 s13, s14;
	v2 =	vpop (erf)  }
0x76: {  	v1 =	vmul.f32 v1, v2;
	_ =	sdelay $0x1  }
0x77: {  	[tilespmem:s9+$0x0] =	vst v1;
	s9 =	smov.u32 s12  }
0x78: {  	v1 =	vld [tilespmem:s13+$0x0]  }
0x79: {  	v2 =	vld [tilespmem:s13+$0x1000]  }
0x7a: {  	v3 =	vld [tilespmem:s13+$0x80];
	_ =	sdelay $0x1  }
0x7b: {  	v4 =	vld [tilespmem:s13+$0x180];
	_ =	sdelay $0x1  }
0x7c: {  	v5 =	vld [tilespmem:s13+$0x100];
	v2 =	vsub.f32 $0.0e+00, v2  }
0x7d: {  	vm0 =	vgt.f32 v3, v1;
	vm1 =	vlt.f32 v3, $-Inf;
	vm2 =	vgt.f32 v3, $-Inf  }
0x7e: {  	vm1 =	vmor vm2, vm1;
	v2 =	vmul.f32 $1.442695020e+00, v2  }
0x7f: {  	vm2 =	vmneg vm0;
	v6 =	vnsel vm1, $0xFF800000, v3;
	v7 =	vld [tilespmem:s13+$0x200]  }
0x80: {  	vm1 =	vmand vm2, vm1;
	v6 =	vsel vm2, v6, v1;
	v1 =	vsel vm2, v1, v3  }
0x81: {  	v8 =	vsel vm0, $0x1, v0;
	v3 =	vsel vm1, $0x1, v0;
	vm0 =	vgt.f32 v5, v6  }
0x82: {  	vm1 =	vgt.f32 v5, v1;
	v6 =	vsel vm0, v5, v6;
	v3 =	vsel vm0, $0x2, v3;
	v9 =	vld [tilespmem:s13+$0x280]  }
0x83: {  	v6 =	vsel vm1, v1, v6;
	v3 =	vsel vm1, v8, v3;
	v10 =	vld [tilespmem:s13+$0x300];
	(erf) = vpow2.f32 v2  }
0x84: {  	v1 =	vsel vm1, v5, v1;
	v2 =	vsel vm1, $0x2, v8;
	vm0 =	vgt.f32 v4, v6  }
0x85: {  	vm1 =	vgt.f32 v4, v1;
	v5 =	vsel vm0, v4, v6;
	v3 =	vsel vm0, $0x3, v3  }
0x86: {  	v5 =	vsel vm1, v1, v5;
	v1 =	vsel vm1, v4, v1;
	v4 =	vsel vm1, $0x3, v2;
	v6 =	vld [tilespmem:s13+$0x380]  }
0x87: {  	v2 =	vsel vm1, v2, v3;
	vm0 =	vgt.f32 v7, v5;
	v3 =	vld [tilespmem:s13+$0x1080]  }
0x88: {  	vm1 =	vgt.f32 v7, v1;
	v5 =	vsel vm0, v7, v5;
	v2 =	vsel vm0, $0x4, v2  }
0x89: {  	v5 =	vsel vm1, v1, v5;
	v2 =	vsel vm1, v4, v2;
	v1 =	vsel vm1, v7, v1  }
0x8a: {  	v4 =	vsel vm1, $0x4, v4;
	vm0 =	vgt.f32 v9, v5  }
0x8b: {  	vm1 =	vgt.f32 v9, v1;
	v5 =	vsel vm0, v9, v5;
	v2 =	vsel vm0, $0x5, v2;
	v7 =	vld [tilespmem:s13+$0x1280]  }
0x8c: {  	v5 =	vsel vm1, v1, v5;
	v2 =	vsel vm1, v4, v2;
	v8 =	vld [tilespmem:s13+$0x800];
	v3 =	vsub.f32 $0.0e+00, v3;
	v11 =	vpop (erf)  }
0x8d: {  	v1 =	vsel vm1, v9, v1;
	v4 =	vsel vm1, $0x5, v4;
	vm0 =	vgt.f32 v10, v5  }
0x8e: {  	vm1 =	vgt.f32 v10, v1;
	v5 =	vsel vm0, v10, v5;
	v3 =	vmul.f32 $1.442695020e+00, v3  }
0x8f: {  	v2 =	vsel vm0, $0x6, v2;
	v5 =	vsel vm1, v1, v5;
	v1 =	vsel vm1, v10, v1;
	v9 =	vld [tilespmem:s13+$0x880]  }
0x90: {  	v2 =	vsel vm1, v4, v2;
	v7 =	vsub.f32 $0.0e+00, v7;
	(erf) = vpow2.f32 v3  }
0x91: {  	v3 =	vsel vm1, $0x6, v4;
	vm0 =	vgt.f32 v6, v1;
	vm1 =	vgt.f32 v6, v5;
	v4 =	vld [tilespmem:s13+$0x1100]  }
0x92: {  	v5 =	vsel vm1, v6, v5;
	v2 =	vsel vm1, $0x7, v2;
	v10 =	vld [tilespmem:s13+$0x900];
	v7 =	vmul.f32 $1.442695020e+00, v7  }
0x93: {  	v5 =	vsel vm0, v1, v5;
	v1 =	vsel vm0, v6, v1;
	v6 =	vsel vm0, $0x7, v3  }
0x94: {  	vm1 =	vgt.f32 v8, v1;
	vm2 =	vgt.f32 v8, v5;
	(erf) = vpow2.f32 v7  }
0x95: {  	v5 =	vsel vm2, v8, v5;
	v7 =	vsel vm1, v8, v1;
	v8 =	vsel vm1, $0x8, v6;
	v12 =	vld [tilespmem:s13+$0x980]  }
0x96: {  	v2 =	vsel vm0, v3, v2;
	v1 =	vsel vm1, v1, v5;
	vm3 =	vgt.f32 v9, v7  }
0x97: {  	v2 =	vsel vm2, $0x8, v2;
	vm0 =	vgt.f32 v9, v1;
	v3 =	vsel vm3, v9, v7  }
0x98: {  	v2 =	vsel vm1, v6, v2;
	v6 =	vadd.f32 $1.000000000e+00, v11;
	v1 =	vsel vm0, v9, v1;
	v5 =	vld [tilespmem:s13+$0xA00]  }
0x99: {  	v2 =	vsel vm0, $0x9, v2;
	vm0 =	vgt.f32 v10, v3;
	v1 =	vsel vm3, v7, v1;
	v7 =	vpop (erf)  }
0x9a: {  	v9 =	vsel vm3, $0x9, v8;
	v7 =	vadd.f32 $1.000000000e+00, v7;
	(erf) = vrcp.f32 v6  }
0x9b: {  	v4 =	vsub.f32 $0.0e+00, v4;
	vm1 =	vgt.f32 v10, v1;
	v6 =	vsel vm0, $0xA, v9;
	v11 =	vld [tilespmem:s13+$0xA80]  }
0x9c: {  	v2 =	vsel vm3, v8, v2;
	v8 =	vsel vm0, v10, v3;
	v1 =	vsel vm1, v10, v1;
	v10 =	vld [tilespmem:s13+$0x1200]  }
0x9d: {  	v2 =	vsel vm1, $0xA, v2;
	vm2 =	vgt.f32 v12, v8;
	v1 =	vsel vm0, v3, v1;
	v3 =	vld [tilespmem:s13+$0x1180];
	v13 =	vpop (erf)  }
0x9e: {  	v4 =	vmul.f32 $1.442695020e+00, v4;
	vm1 =	vgt.f32 v12, v1;
	v14 =	vld [tilespmem:s13+$0xB00];
	v13 =	vadd.f32 $1.000000000e+00, v13  }
0x9f: {  	v15 =	vsel vm2, $0xB, v6;
	v1 =	vsel vm1, v12, v1;
	v12 =	vsel vm2, v12, v8  }
0xa0: {  	v1 =	vsel vm2, v8, v1;
	vm4 =	vgt.f32 v5, v12;
	(erf) = vrcp.f32 v7  }
0xa1: {  	v2 =	vsel vm0, v9, v2;
	v7 =	vsel vm4, v5, v12;
	v8 =	vld [tilespmem:s13+$0xB80];
	v9 =	vsub.f32 $0.0e+00, v10  }
0xa2: {  	vm5 =	vgt.f32 v5, v1;
	vm3 =	vgt.f32 v11, v7;
	(erf) = vrcp.f32 v13  }
0xa3: {  	v1 =	vsel vm5, v5, v1;
	v5 =	vsel vm3, v11, v7;
	v3 =	vsub.f32 $0.0e+00, v3;
	v10 =	vpop (erf)  }
0xa4: {  	v1 =	vsel vm4, v12, v1;
	v12 =	vsel vm4, $0xC, v15;
	vm0 =	vgt.f32 v14, v5;
	v13 =	vld [tilespmem:s13+$0x1300]  }
0xa5: {  	vm6 =	vgt.f32 v11, v1;
	v16 =	vsel vm3, $0xD, v12;
	v17 =	vsel vm0, v14, v5  }
0xa6: {  	v2 =	vsel vm1, $0xB, v2;
	v1 =	vsel vm6, v11, v1;
	vm1 =	vgt.f32 v8, v17  }
0xa7: {  	v2 =	vsel vm2, v6, v2;
	v6 =	vsel vm3, v7, v1;
	v7 =	vld [tilespmem:s13+$0x1380];
	(erf) = vpow2.f32 v4  }
0xa8: {  	v1 =	vsel vm5, $0xC, v2;
	v2 =	vmul.f32 $1.442695020e+00, v3;
	v4 =	vsel vm1, v8, v17  }
0xa9: {  	v1 =	vsel vm4, v15, v1;
	vm2 =	vgt.f32 v14, v6;
	v11 =	vsub.f32 $0.0e+00, v13;
	v13 =	vpop (erf)  }
0xaa: {  	v9 =	vmul.f32 $1.442695020e+00, v9;
	v15 =	vsel vm0, $0xE, v16;
	v1 =	vsel vm6, $0xD, v1;
	v18 =	vld [tilespmem:s13+$0x1800]  }
0xab: {  	v12 =	vsel vm3, v12, v1;
	v1 =	vsel vm1, $0xF, v15;
	(erf) = vpow2.f32 v2;
	v3 =	vpop (erf)  }
0xac: {  	vm3 =	veq.s32 v1, $0x0;
	v2 =	vsel vm2, v14, v6;
	v6 =	vsub.f32 $0.0e+00, v7;
	v7 =	vld [tilespmem:s13+$0x1880]  }
0xad: {  	v14 =	vnsel vm3, $0x0, v10;
	v11 =	vmul.f32 $1.442695020e+00, v11;
	(erf) = vpow2.f32 v9  }
0xae: {  	v19 =	vsel vm2, $0xE, v12;
	vm2 =	veq.s32 v1, $0x1;
	v2 =	vsel vm0, v5, v2  }
0xaf: {  	v16 =	vsel vm0, v16, v19;
	vm0 =	vgt.f32 v8, v2;
	v9 =	vsub.f32 $0.0e+00, v18  }
0xb0: {  	v8 =	vsel vm0, v8, v2;
	v2 =	vsel vm0, $0xF, v16;
	v6 =	vmul.f32 $1.442695020e+00, v6;
	v12 =	vld [tilespmem:s13+$0x1900];
	v5 =	vpop (erf)  }
0xb1: {  	v14 =	vsel vm2, v13, v14;
	v2 =	vsel vm1, v15, v2;
	v15 =	vadd.f32 $1.000000000e+00, v5  }
0xb2: {  	vm0 =	veq.s32 v2, $0x0;
	vm2 =	veq.s32 v2, $0x1;
	v7 =	vsub.f32 $0.0e+00, v7  }
0xb3: {  	v5 =	vnsel vm0, $0x0, v10;
	v9 =	vmul.f32 $1.442695020e+00, v9;
	v10 =	vld [tilespmem:s13+$0x1980];
	(erf) = vpow2.f32 v11  }
0xb4: {  	vm0 =	veq.s32 v2, $0x2;
	v5 =	vsel vm2, v13, v5;
	v7 =	vmul.f32 $1.442695020e+00, v7;
	v11 =	vpop (erf)  }
0xb5: {  	v16 =	vsel vm1, v17, v8;
	v11 =	vadd.f32 $1.000000000e+00, v11;
	v12 =	vsub.f32 $0.0e+00, v12  }
0xb6: {  	v4 =	vsub.f32 v16, v4;
	v13 =	vld [tilespmem:s13+$0x1A00];
	v8 =	vpop (erf);
	(erf) = vpow2.f32 v6  }
0xb7: {  	v6 =	vadd.f32 $1.000000000e+00, v8;
	v8 =	vmul.f32 $1.442695020e+00, v12;
	v12 =	vld [tilespmem:s13+$0x1A80];
	(erf) = vrcp.f32 v15  }
0xb8: {  	v4 =	vmul.f32 $1.442695020e+00, v4;
	v10 =	vsub.f32 $0.0e+00, v10;
	v15 =	vld [tilespmem:s13+$0x1B00];
	(erf) = vpow2.f32 v7  }
0xb9: {  	(erf) = vrcp.f32 v11  }
0xba: {  	v7 =	vmul.f32 $1.442695020e+00, v10;
	(erf) = vpow2.f32 v9  }
0xbb: {  	v9 =	vsub.f32 $0.0e+00, v13;
	v10 =	vld [tilespmem:s13+$0x1B80];
	(erf) = vrcp.f32 v6  }
0xbc: {  	vm1 =	veq.s32 v1, $0x6;
	v16 =	vsub.f32 $0.0e+00, v12;
	v11 =	vpop (erf);
	(erf) = vpow2.f32 v8  }
.Ltmp0:
0xbd: {  	v11 =	vadd.f32 $1.000000000e+00, v11;
	v12 =	vmul.f32 $1.442695020e+00, v9;
	v15 =	vsub.f32 $0.0e+00, v15;
	(pc) =	sbr.rel @p0 .LBB2_2-.Ltmp0, $4  }
0xbe: {  	v8 =	vmul.f32 $1.442695020e+00, v16;
	(erf) = vpow2.f32 v7  }
0xbf: {  	vm2 =	veq.s32 v1, $0x2;
	v13 =	vmul.f32 $1.442695020e+00, v15;
	(erf) = vrcp.f32 v11;
	v6 =	vpop (erf)  }
0xc0: {  	v6 =	vadd.f32 $1.000000000e+00, v6;
	v11 =	vsub.f32 $0.0e+00, v10;
	v9 =	vpop (erf);
	(erf) = vpow2.f32 v12  }
0xc1: {  	v7 =	vsel vm2, v9, v14;
	vm2 =	veq.s32 v2, $0x3;
	v10 =	vpop (erf);
	(erf) = vpow2.f32 v13  }
0xc2: {  	v11 =	vmul.f32 $1.442695020e+00, v11;
	(erf) = vpow2.f32 v8  }
0xc3: {  	vm3 =	veq.s32 v1, $0x4;
	v41 =	vpop (erf);
	v5 =	vsel vm0, v9, v5  }
0xc4: {  	v42 =	vadd.f32 $1.000000000e+00, v10;
	vm7 =	veq.s32 v1, $0x3;
	v43 =	vpop (erf);
	(erf) = vpow2.f32 v11  }
0xc5: {  	vm8 =	veq.s32 v2, $0x4;
	vm9 =	veq.s32 v1, $0x5;
	vm10 =	veq.s32 v2, $0x8;
	v44 =	vpop (erf)  }
0xc6: {  	vm11 =	veq.s32 v2, $0x6;
	v10 =	vadd.f32 $1.000000000e+00, v43;
	(erf) = vrcp.f32 v42;
	v45 =	vpop (erf)  }
0xc7: {  	vm12 =	veq.s32 v1, $0xA;
	vm13 =	veq.s32 v1, $0x9;
	(erf) = vrcp.f32 v6;
	v47 =	vpop (erf)  }
0xc8: {  	vm4 =	veq.s32 v2, $0x5;
	v46 =	vadd.f32 $1.000000000e+00, v45;
	(erf) = vrcp.f32 v10;
	v48 =	vpop (erf)  }
0xc9: {  	vm5 =	veq.s32 v1, $0x8;
	v6 =	vadd.f32 $1.000000000e+00, v47;
	(erf) = vpow2.f32 v4;
	v49 =	vpop (erf)  }
0xca: {  	vm6 =	veq.s32 v1, $0x7;
	(erf) = vrcp.f32 v46;
	v4 =	vadd.f32 $1.000000000e+00, v49;
	v50 =	vpop (erf)  }
0xcb: {  	vm14 =	veq.s32 v2, $0x7;
	(erf) = vrcp.f32 v6;
	v8 =	vadd.f32 $1.000000000e+00, v50;
	v51 =	vpop (erf)  }
0xcc: {  	vm15 =	veq.s32 v2, $0xA;
	v6 =	vadd.f32 $1.000000000e+00, v51;
	(erf) = vrcp.f32 v4  }
0xcd: {  	v5 =	vsel vm2, v41, v5;
	v7 =	vsel vm7, v41, v7;
	(erf) = vrcp.f32 v8;
	v52 =	vpop (erf)  }
0xce: {  	v7 =	vsel vm3, v44, v7;
	v4 =	vadd.f32 $1.000000000e+00, v52;
	(erf) = vrcp.f32 v6  }
0xcf: {  	vm7 =	veq.s32 v2, $0xB;
	v5 =	vsel vm8, v44, v5;
	v7 =	vsel vm9, v3, v7;
	v53 =	vpop (erf)  }
0xd0: {  	v3 =	vsel vm4, v3, v5;
	v7 =	vsel vm1, v48, v7;
	v54 =	vpop (erf);
	(erf) = vrcp.f32 v4  }
0xd1: {  	vm8 =	veq.s32 v2, $0xC;
	v3 =	vsel vm11, v48, v3;
	v55 =	vsel vm6, v54, v7;
	v56 =	vpop (erf)  }
0xd2: {  	vm9 =	veq.s32 v1, $0xC;
	v3 =	vsel vm14, v54, v3;
	v4 =	vsel vm5, v56, v55;
	v57 =	vpop (erf)  }
0xd3: {  	v3 =	vsel vm10, v56, v3;
	vm5 =	veq.s32 v2, $0x9;
	v58 =	vadd.f32 $1.000000000e+00, v57;
	v59 =	vpop (erf)  }
0xd4: {  	vm11 =	veq.s32 v2, $0xE;
	vm6 =	veq.s32 v1, $0xB;
	v3 =	vsel vm5, v53, v3;
	v60 =	vpop (erf)  }
0xd5: {  	v4 =	vsel vm13, v53, v4;
	v3 =	vsel vm15, v59, v3;
	(erf) = vrcp.f32 v58;
	v61 =	vpop (erf)  }
0xd6: {  	vm14 =	veq.s32 v1, $0xE;
	v4 =	vsel vm12, v59, v4;
	v3 =	vsel vm7, v60, v3;
	v62 =	vpop (erf)  }
0xd7: {  	vm10 =	veq.s32 v2, $0xD;
	v4 =	vsel vm6, v60, v4;
	v3 =	vsel vm8, v61, v3;
	v63 =	vpop (erf)  }
0xd8: {  	vm12 =	veq.s32 v1, $0xD;
	v4 =	vsel vm9, v61, v4;
	v3 =	vsel vm10, v63, v3  }
0xd9: {  	vm13 =	veq.s32 v2, $0xF;
	v4 =	vsel vm12, v63, v4;
	v3 =	vsel vm11, v62, v3;
	v2 =	vpop (erf)  }
0xda: {  	vm15 =	veq.s32 v1, $0xF;
	v4 =	vsel vm14, v62, v4;
	v3 =	vsel vm13, v2, v3  }
0xdb: {  	v2 =	vsel vm15, v2, v4;
	v1 =	vmul.f32 v3, v57;
	_ =	sdelay $0x1  }
0xdc: {  	v1 =	vadd.f32 v1, v2  }
0xdd: {  	v2 =	vpop (erf)  }
0xde: {  	s8 =	sadd.s32 $0x1, s8;
	v1 =	vmul.f32 v1, v2  }
0xdf: {  	p0 =	sne.s32 s8, s5  }
.Ltmp1:
0xe0: {  	[tilespmem:s9+$0x0] =	vst v1;
	(pc) =	sbr.rel @p0 .LBB2_1-.Ltmp1, $4  }
0xe1: {  	[hbm4b:s4+s2] =	stream.linear.scatter [tilespmem:s7], [sflag:$0x1], $0x100, $0x38;
	[tilespmem:$0x2100] =	vst v63  }
0xe2: {  	_ =	swait.ge [sflag:s6], $0x100  }
0xe3: {  	[sflag:s6] =	ssyncset.done $0x0  }
0xe4: {  	[sflag:s6] =	ssyncadd.s32 $0xFFFFFF00  }
0xe5: {  	_ =	sfence.sel $0x180000  }
0xe6: {  	[bflag:$0x0] =	sbarrier.arrive $0xFFFF  }
0xe7: {  	p0 =	sne.s32 s1, $0x0;
	_ =	strace $0x90000047  }
0xe8: {  	s0 =	sadd.s32 @!p0 $0x100000, s0;
	[bflag:$0x2] =	sbarrier.arrive $0xFFFF  }
0xe9: {  	[sflag:s0] =	ssyncadd.tile.s32 @!p0 $0x1;
	_ =	shalt  }
.Lfunc_end2:
_tile_overlayer_lowered:
.L_overlay_start_2:
0xea: {  	(tag) =	ssettag $0x2  }
0xeb: {  	s0 =	rddreg [dreg:$0x0];
	s2 =	stileid.u32  }
0xec: {  	s1 =	rddreg [dreg:$0x1];
	p0 =	sne.s32 s2, $0x0  }
0xed: {  	s3 =	rddreg [dreg:$0x2];
	[bflag:$0x3] =	sbarrier.arrive $0xFFFF;
	s2 =	simm.s32 @!p0 $0x1C01  }
0xee: {  	[timem:s3], [sflag:s2] =	dma.local @!p0 [hbm:s0], s1  }
0xef: {  	s0 =	simm.s32 @!p0 $0x1  }
0xf0: {  	_ =	swait.ge @!p0 [sflag:s0], s1  }
0xf1: {  	s1 =	ssub.s32 @!p0 $0x0, s1;
	[sflag:s0] =	ssyncset.done @!p0 $0x0  }
0xf2: {  	[sflag:s0] =	ssyncadd.s32 @!p0 s1  }
0xf3: {  	[bflag:$0x3] =	sbarrier.arrive $0xFFFF  }
0xf4: {  	_ =	shalt  }

</sc_bundles>
